<compile_context>
chip_gen: v7x
topology: tpu7x:2x2x1
jax: 0.10.2.dev20260603
libtpu: 0.0.44.dev20260713+nightly
codegen_flags: <defaults>
</compile_context>

<pallas_src>
import functools

import jax
import jax.numpy as jnp
from jax import lax
from jax.experimental import pallas as pl
from jax.experimental.pallas import tpu as pltpu
from jax.experimental.pallas import tpu_sc as plsc

VOCAB = 1000000
DIM = 64
BATCH = 16384

_NC = 2
_NS = 16
_NW = _NC * _NS
_BPW = BATCH // _NW
_NP = 8
_NR = 8


@functools.partial(
    pl.kernel,
    mesh=plsc.VectorSubcoreMesh(core_axis_name="c", subcore_axis_name="s"),
    out_type=jax.ShapeDtypeStruct((BATCH, DIM), jnp.float32),
    scratch_types=[
        pltpu.VMEM((_BPW,), jnp.int32),
        pltpu.VMEM((_BPW,), jnp.int32),
        pltpu.VMEM((_NP, DIM, 128), jnp.float32),
        pltpu.VMEM((_NR, DIM), jnp.float32),
        pltpu.SMEM((_BPW,), jnp.int32),
        pltpu.SMEM((_BPW,), jnp.int32),
        [pltpu.SemaphoreType.DMA] * _NP,
        pltpu.SemaphoreType.DMA,
    ],
    compiler_params=pltpu.CompilerParams(
        use_tc_tiling_on_sc=True, needs_layout_passes=False
    ),
)
def _sc_gather(sidx_hbm, spos_hbm, tt_hbm, out_hbm, sidx_v, spos_v,
               panels_v, rows_v, cs_s, it_s, psems, osem):
    wid = lax.axis_index("s") * _NC + lax.axis_index("c")
    base = wid * _BPW
    pltpu.sync_copy(sidx_hbm.at[pl.ds(base, _BPW)], sidx_v)
    pltpu.sync_copy(spos_hbm.at[pl.ds(base, _BPW)], spos_v)
    iota = lax.iota(jnp.int32, 16)

    def stage(g, _):
        iv = sidx_v[pl.ds(g * 16, 16)]
        pv = spos_v[pl.ds(g * 16, 16)]
        cvec = iv >> 7
        ivec = (iv & 127) | (pv << 7)
        off = g * 16
        for j in range(16):
            cs_s[off + j] = cvec[j]
            it_s[off + j] = ivec[j]
        return 0

    lax.fori_loop(0, _BPW // 16, stage, 0, unroll=False)

    def fetch(slot, c):
        off = pl.multiple_of(c * 128, 128)
        for s in range(_NP):
            @pl.when(slot == s)
            def _(s=s):
                pltpu.async_copy(
                    tt_hbm.at[:, pl.ds(off, 128)], panels_v.at[s], psems[s]
                )

    fetch(jnp.int32(0), cs_s[0])

    def body(e, carry):
        pf, dpf, dc = carry

        for _ in range(2):
            can_scan = pf < _BPW
            cnew = cs_s[jnp.minimum(pf, _BPW - 1)]
            cprev = cs_s[jnp.minimum(pf - 1, _BPW - 1)]
            is_new = can_scan & (cnew != cprev)
            room = dpf < dc + _NP - 1
            do_issue = is_new & room

            @pl.when(do_issue)
            def _(dpf=dpf, cnew=cnew):
                fetch(dpf % _NP, cnew)

            advance = can_scan & ((~is_new) | room)
            pf = pf + advance.astype(jnp.int32)
            dpf = dpf + do_issue.astype(jnp.int32)

        ce = cs_s[e]
        cprev_e = cs_s[jnp.maximum(e - 1, 0)]
        run_start = (e == 0) | (ce != cprev_e)

        @pl.when(run_start)
        def _():
            slot_new = dc % _NP
            for s in range(_NP):
                @pl.when(slot_new == s)
                def _():
                    pltpu.make_async_copy(
                        tt_hbm.at[:, pl.ds(0, 128)],
                        panels_v.at[s],
                        psems[s],
                    ).wait()

        dc = dc + run_start.astype(jnp.int32)
        slot = (dc - 1) % _NP

        rslot = e % _NR

        @pl.when(e >= _NR)
        def _():
            pltpu.make_async_copy(
                rows_v.at[pl.ds(0, 1)], out_hbm.at[pl.ds(0, 1)], osem
            ).wait()

        item = it_s[e]
        l = item & 127
        pos = item >> 7
        sv = jnp.full((16,), slot, jnp.int32)
        lv = jnp.full((16,), l, jnp.int32)
        rv = jnp.full((16,), rslot, jnp.int32)
        for k in range(DIM // 16):
            fv = iota + (k * 16)
            v = plsc.load_gather(panels_v, [sv, fv, lv])
            plsc.store_scatter(rows_v, [rv, fv], v)

        pltpu.async_copy(
            rows_v.at[pl.ds(rslot, 1)], out_hbm.at[pl.ds(pos, 1)], osem
        )
        return (pf, dpf, dc)

    lax.fori_loop(0, _BPW, body, (jnp.int32(1), jnp.int32(1), jnp.int32(0)),
                  unroll=False)

    def drain(_, x):
        pltpu.make_async_copy(
            rows_v.at[pl.ds(0, 1)], out_hbm.at[pl.ds(0, 1)], osem
        ).wait()
        return x

    lax.fori_loop(0, _NR, drain, 0, unroll=False)


def _mm_body(w_ref, x_ref, b_ref, o_ref):
    o_ref[...] = (
        lax.dot_general(
            w_ref[...],
            x_ref[...],
            (((0,), (1,)), ((), ())),
            preferred_element_type=jnp.float32,
        )
        + b_ref[...]
    )


_BM = 4096


def _tc_linear_t(W, rows, b2d):
    return pl.pallas_call(
        _mm_body,
        grid=(BATCH // _BM,),
        in_specs=[
            pl.BlockSpec((DIM, DIM), lambda i: (0, 0)),
            pl.BlockSpec((_BM, DIM), lambda i: (i, 0)),
            pl.BlockSpec((DIM, 1), lambda i: (0, 0)),
        ],
        out_specs=pl.BlockSpec((DIM, _BM), lambda i: (0, i)),
        out_shape=jax.ShapeDtypeStruct((DIM, BATCH), jnp.float32),
    )(W, rows, b2d)


def kernel(message, table, W_agent, b_agent):
    idx = message.astype(jnp.int32)
    pos = lax.iota(jnp.int32, BATCH)
    sidx, spos = lax.sort([idx, pos], num_keys=1)
    rows = _sc_gather(sidx, spos, table.T)
    return _tc_linear_t(W_agent, rows, b_agent.reshape(DIM, 1)).T

# --- scband reference (transcript-rebuilt; emitter-appended) ---
"""Pipeline reference for scband-symbol-receiver-wrapper-10325101379874 (READ-ONLY COPY).

The authoritative reference and input builder live on the scoring server;
editing this copy changes nothing except your own understanding.
"""

import jax, jax.numpy as jnp
import numpy as np

VOCAB = 1000000
DIM = 64
BATCH = 16384

def setup_inputs(seed: int = 0) -> dict:
    key = jax.random.key(seed)
    k1, k2, k3, k4 = jax.random.split(key, 4)
    message = jax.random.randint(k1, (BATCH,), 0, VOCAB, dtype=jnp.int64 if jax.config.jax_enable_x64 else jnp.int32).astype(jnp.int32)
    table = jax.random.normal(k2, (VOCAB, DIM), dtype=jnp.float32) * 0.02
    W_agent = jax.random.normal(k3, (DIM, DIM), dtype=jnp.float32) * 0.02
    b_agent = jnp.zeros((DIM,), dtype=jnp.float32)
    return {"message": message, "table": table, "W_agent": W_agent, "b_agent": b_agent}

def reference(message, table, W_agent, b_agent):
    # RelaxedEmbedding with integer message -> plain embedding lookup (gather)
    embedded_message = jnp.take(table, message, axis=0)
    # wrapped agent: modeled as a linear layer on the embedded message
    out = embedded_message @ W_agent + b_agent
    return out

if __name__ == "__main__":
    import jax
    _d = setup_inputs()
    print(jax.jit(kernel)(*tuple(_d.values())))

</pallas_src>

<mosaic_0001>
#map = affine_map<(d0, d1) -> (0)>
#map1 = affine_map<(d0, d1) -> (0, 0)>
module attributes {stable_mosaic.version = 14 : i64} {
  func.func @_sc_gather(%arg0: i32, %arg1: i32, %arg2: memref<16384xi32, #tpu.memory_space<hbm>>, %arg3: memref<16384xi32, #tpu.memory_space<hbm>>, %arg4: memref<64x1000000xf32, #tpu.memory_space<hbm>>, %arg5: memref<16384x64xf32, #tpu.memory_space<hbm>>, %arg6: memref<512xi32, #tpu.memory_space<vmem>>, %arg7: memref<512xi32, #tpu.memory_space<vmem>>, %arg8: memref<8x64x128xf32, #tpu.memory_space<vmem>>, %arg9: memref<8x64xf32, #tpu.memory_space<vmem>>, %arg10: memref<512xi32, #tpu.memory_space<smem>>, %arg11: memref<512xi32, #tpu.memory_space<smem>>, %arg12: memref<!tpu.dma_semaphore, #tpu.memory_space<semaphore_mem>>, %arg13: memref<!tpu.dma_semaphore, #tpu.memory_space<semaphore_mem>>, %arg14: memref<!tpu.dma_semaphore, #tpu.memory_space<semaphore_mem>>, %arg15: memref<!tpu.dma_semaphore, #tpu.memory_space<semaphore_mem>>, %arg16: memref<!tpu.dma_semaphore, #tpu.memory_space<semaphore_mem>>, %arg17: memref<!tpu.dma_semaphore, #tpu.memory_space<semaphore_mem>>, %arg18: memref<!tpu.dma_semaphore, #tpu.memory_space<semaphore_mem>>, %arg19: memref<!tpu.dma_semaphore, #tpu.memory_space<semaphore_mem>>, %arg20: memref<!tpu.dma_semaphore, #tpu.memory_space<semaphore_mem>>) attributes {dimension_semantics = [#tpu.dimension_semantics<core_parallel>, #tpu.dimension_semantics<subcore_parallel>], iteration_bounds = array<i64: 2, 16>, scalar_prefetch = 0 : i64, scratch_operands = 15 : i64, tpu.core_type = #tpu.core_type<sc_vector_subcore>, window_params = [{transform_indices = #map}, {transform_indices = #map}, {transform_indices = #map1}, {transform_indices = #map1}]} {
    %mul3A = arith.constant 2 : i32
    %mul3A_0 = arith.muli %arg1, %mul3A : i32
    %add3A = arith.addi %mul3A_0, %arg0 : i32
    %mul3A_1 = arith.constant 512 : i32
    %mul3A_2 = arith.muli %add3A, %mul3A_1 : i32
    "tpu.region"() ({
      %run_scoped3A = tpu.sem_alloc : memref<!tpu.dma_semaphore, #tpu.memory_space<semaphore_mem>>
      %dma_start3A = tpu.memref_slice %arg2[%mul3A_2] : memref<16384xi32, #tpu.memory_space<hbm>> -> memref<512xi32, #tpu.memory_space<hbm>>
      %dma_start3A_73 = tpu.memref_slice %arg2[%mul3A_2] : memref<16384xi32, #tpu.memory_space<hbm>> -> memref<512xi32, #tpu.memory_space<hbm>>
      tpu.enqueue_dma source(%dma_start3A_73 : memref<512xi32, #tpu.memory_space<hbm>>) target(%arg6 : memref<512xi32, #tpu.memory_space<vmem>>) target_semaphore(%run_scoped3A : memref<!tpu.dma_semaphore, #tpu.memory_space<semaphore_mem>>)
      %dma_wait3A = tpu.memref_slice %arg2[%mul3A_2] : memref<16384xi32, #tpu.memory_space<hbm>> -> memref<512xi32, #tpu.memory_space<hbm>>
      %dma_wait3A_74 = tpu.memref_slice %arg2[%mul3A_2] : memref<16384xi32, #tpu.memory_space<hbm>> -> memref<512xi32, #tpu.memory_space<hbm>>
      tpu.wait_dma2 semaphore(%run_scoped3A : memref<!tpu.dma_semaphore, #tpu.memory_space<semaphore_mem>>) src(%dma_wait3A_74 : memref<512xi32, #tpu.memory_space<hbm>>) dst(%arg6 : memref<512xi32, #tpu.memory_space<vmem>>)
      tpu.yield
    }) : () -> ()
    "tpu.region"() ({
      %run_scoped3A = tpu.sem_alloc : memref<!tpu.dma_semaphore, #tpu.memory_space<semaphore_mem>>
      %dma_start3A = tpu.memref_slice %arg3[%mul3A_2] : memref<16384xi32, #tpu.memory_space<hbm>> -> memref<512xi32, #tpu.memory_space<hbm>>
      %dma_start3A_73 = tpu.memref_slice %arg3[%mul3A_2] : memref<16384xi32, #tpu.memory_space<hbm>> -> memref<512xi32, #tpu.memory_space<hbm>>
      tpu.enqueue_dma source(%dma_start3A_73 : memref<512xi32, #tpu.memory_space<hbm>>) target(%arg7 : memref<512xi32, #tpu.memory_space<vmem>>) target_semaphore(%run_scoped3A : memref<!tpu.dma_semaphore, #tpu.memory_space<semaphore_mem>>)
      %dma_wait3A = tpu.memref_slice %arg3[%mul3A_2] : memref<16384xi32, #tpu.memory_space<hbm>> -> memref<512xi32, #tpu.memory_space<hbm>>
      %dma_wait3A_74 = tpu.memref_slice %arg3[%mul3A_2] : memref<16384xi32, #tpu.memory_space<hbm>> -> memref<512xi32, #tpu.memory_space<hbm>>
      tpu.wait_dma2 semaphore(%run_scoped3A : memref<!tpu.dma_semaphore, #tpu.memory_space<semaphore_mem>>) src(%dma_wait3A_74 : memref<512xi32, #tpu.memory_space<hbm>>) dst(%arg7 : memref<512xi32, #tpu.memory_space<vmem>>)
      tpu.yield
    }) : () -> ()
    %iota3A = tpu.iota {dimensions = array<i32: 0>} : vector<16xi32>
    %scan3A = arith.constant 0 : i32
    %scan3A_3 = arith.constant 0 : i32
    %scan3A_4 = arith.constant 32 : i32
    %scan3A_5 = arith.addi %scan3A_3, %scan3A_4 : i32
    %scan3A_6 = arith.constant 1 : i32
    %scan3A_7 = scf.for %scan3A_73 = %scan3A_3 to %scan3A_5 step %scan3A_6 iter_args(%scan3A_74 = %scan3A) -> (i32)  : i32 {
      %mul3A_75 = arith.constant 16 : i32
      %mul3A_76 = arith.muli %scan3A_73, %mul3A_75 : i32
      %get3A_77 = arith.index_cast %mul3A_76 : i32 to index
      %get3A_78 = tpu.vector_load %arg6[%get3A_77] {strides = array<i32>} : memref<512xi32, #tpu.memory_space<vmem>>, vector<16xi32>,
      %mul3A_79 = arith.constant 16 : i32
      %mul3A_80 = arith.muli %scan3A_73, %mul3A_79 : i32
      %get3A_81 = arith.index_cast %mul3A_80 : i32 to index
      %get3A_82 = tpu.vector_load %arg7[%get3A_81] {strides = array<i32>} : memref<512xi32, #tpu.memory_space<vmem>>, vector<16xi32>,
      %shift_right_arithmetic3A = arith.constant 7 : i32
      %shift_right_arithmetic3A_83 = vector.broadcast %shift_right_arithmetic3A : i32 to vector<16xi32>
      %shift_right_arithmetic3A_84 = arith.shrsi %get3A_78, %shift_right_arithmetic3A_83 : vector<16xi32>
      %and3A = arith.constant 127 : i32
      %and3A_85 = vector.broadcast %and3A : i32 to vector<16xi32>
      %and3A_86 = arith.andi %get3A_78, %and3A_85 : vector<16xi32>
      %shift_left3A = arith.constant 7 : i32
      %shift_left3A_87 = vector.broadcast %shift_left3A : i32 to vector<16xi32>
      %shift_left3A_88 = arith.shli %get3A_82, %shift_left3A_87 : vector<16xi32>
      %or3A = arith.ori %and3A_86, %shift_left3A_88 : vector<16xi32>
      %mul3A_89 = arith.constant 16 : i32
      %mul3A_90 = arith.muli %scan3A_73, %mul3A_89 : i32
      %slice3A = vector.extract_strided_slice %shift_right_arithmetic3A_84 {offsets = [0], sizes = [1], strides = [1]} : vector<16xi32> to vector<1xi32>
      %squeeze3A = vector.extract %slice3A[0] : i32 from vector<1xi32>
      %add3A_91 = arith.constant 0 : i32
      %add3A_92 = arith.addi %mul3A_90, %add3A_91 : i32
      %swap3A = arith.index_cast %add3A_92 : i32 to index
      %swap3A_93 = memref.load %arg10[%swap3A] : memref<512xi32, #tpu.memory_space<smem>>
      memref.store %squeeze3A, %arg10[%swap3A] : memref<512xi32, #tpu.memory_space<smem>>
      %slice3A_94 = vector.extract_strided_slice %or3A {offsets = [0], sizes = [1], strides = [1]} : vector<16xi32> to vector<1xi32>
      %squeeze3A_95 = vector.extract %slice3A_94[0] : i32 from vector<1xi32>
      %add3A_96 = arith.constant 0 : i32
      %add3A_97 = arith.addi %mul3A_90, %add3A_96 : i32
      %swap3A_98 = arith.index_cast %add3A_97 : i32 to index
      %swap3A_99 = memref.load %arg11[%swap3A_98] : memref<512xi32, #tpu.memory_space<smem>>
      memref.store %squeeze3A_95, %arg11[%swap3A_98] : memref<512xi32, #tpu.memory_space<smem>>
      %slice3A_100 = vector.extract_strided_slice %shift_right_arithmetic3A_84 {offsets = [1], sizes = [1], strides = [1]} : vector<16xi32> to vector<1xi32>
      %squeeze3A_101 = vector.extract %slice3A_100[0] : i32 from vector<1xi32>
      %add3A_102 = arith.constant 1 : i32
      %add3A_103 = arith.addi %mul3A_90, %add3A_102 : i32
      %swap3A_104 = arith.index_cast %add3A_103 : i32 to index
      %swap3A_105 = memref.load %arg10[%swap3A_104] : memref<512xi32, #tpu.memory_space<smem>>
      memref.store %squeeze3A_101, %arg10[%swap3A_104] : memref<512xi32, #tpu.memory_space<smem>>
      %slice3A_106 = vector.extract_strided_slice %or3A {offsets = [1], sizes = [1], strides = [1]} : vector<16xi32> to vector<1xi32>
      %squeeze3A_107 = vector.extract %slice3A_106[0] : i32 from vector<1xi32>
      %add3A_108 = arith.constant 1 : i32
      %add3A_109 = arith.addi %mul3A_90, %add3A_108 : i32
      %swap3A_110 = arith.index_cast %add3A_109 : i32 to index
      %swap3A_111 = memref.load %arg11[%swap3A_110] : memref<512xi32, #tpu.memory_space<smem>>
      memref.store %squeeze3A_107, %arg11[%swap3A_110] : memref<512xi32, #tpu.memory_space<smem>>
      %slice3A_112 = vector.extract_strided_slice %shift_right_arithmetic3A_84 {offsets = [2], sizes = [1], strides = [1]} : vector<16xi32> to vector<1xi32>
      %squeeze3A_113 = vector.extract %slice3A_112[0] : i32 from vector<1xi32>
      %add3A_114 = arith.constant 2 : i32
      %add3A_115 = arith.addi %mul3A_90, %add3A_114 : i32
      %swap3A_116 = arith.index_cast %add3A_115 : i32 to index
      %swap3A_117 = memref.load %arg10[%swap3A_116] : memref<512xi32, #tpu.memory_space<smem>>
      memref.store %squeeze3A_113, %arg10[%swap3A_116] : memref<512xi32, #tpu.memory_space<smem>>
      %slice3A_118 = vector.extract_strided_slice %or3A {offsets = [2], sizes = [1], strides = [1]} : vector<16xi32> to vector<1xi32>
      %squeeze3A_119 = vector.extract %slice3A_118[0] : i32 from vector<1xi32>
      %add3A_120 = arith.constant 2 : i32
      %add3A_121 = arith.addi %mul3A_90, %add3A_120 : i32
      %swap3A_122 = arith.index_cast %add3A_121 : i32 to index
      %swap3A_123 = memref.load %arg11[%swap3A_122] : memref<512xi32, #tpu.memory_space<smem>>
      memref.store %squeeze3A_119, %arg11[%swap3A_122] : memref<512xi32, #tpu.memory_space<smem>>
      %slice3A_124 = vector.extract_strided_slice %shift_right_arithmetic3A_84 {offsets = [3], sizes = [1], strides = [1]} : vector<16xi32> to vector<1xi32>
      %squeeze3A_125 = vector.extract %slice3A_124[0] : i32 from vector<1xi32>
      %add3A_126 = arith.constant 3 : i32
      %add3A_127 = arith.addi %mul3A_90, %add3A_126 : i32
      %swap3A_128 = arith.index_cast %add3A_127 : i32 to index
      %swap3A_129 = memref.load %arg10[%swap3A_128] : memref<512xi32, #tpu.memory_space<smem>>
      memref.store %squeeze3A_125, %arg10[%swap3A_128] : memref<512xi32, #tpu.memory_space<smem>>
      %slice3A_130 = vector.extract_strided_slice %or3A {offsets = [3], sizes = [1], strides = [1]} : vector<16xi32> to vector<1xi32>
      %squeeze3A_131 = vector.extract %slice3A_130[0] : i32 from vector<1xi32>
      %add3A_132 = arith.constant 3 : i32
      %add3A_133 = arith.addi %mul3A_90, %add3A_132 : i32
      %swap3A_134 = arith.index_cast %add3A_133 : i32 to index
      %swap3A_135 = memref.load %arg11[%swap3A_134] : memref<512xi32, #tpu.memory_space<smem>>
      memref.store %squeeze3A_131, %arg11[%swap3A_134] : memref<512xi32, #tpu.memory_space<smem>>
      %slice3A_136 = vector.extract_strided_slice %shift_right_arithmetic3A_84 {offsets = [4], sizes = [1], strides = [1]} : vector<16xi32> to vector<1xi32>
      %squeeze3A_137 = vector.extract %slice3A_136[0] : i32 from vector<1xi32>
      %add3A_138 = arith.constant 4 : i32
      %add3A_139 = arith.addi %mul3A_90, %add3A_138 : i32
      %swap3A_140 = arith.index_cast %add3A_139 : i32 to index
      %swap3A_141 = memref.load %arg10[%swap3A_140] : memref<512xi32, #tpu.memory_space<smem>>
      memref.store %squeeze3A_137, %arg10[%swap3A_140] : memref<512xi32, #tpu.memory_space<smem>>
      %slice3A_142 = vector.extract_strided_slice %or3A {offsets = [4], sizes = [1], strides = [1]} : vector<16xi32> to vector<1xi32>
      %squeeze3A_143 = vector.extract %slice3A_142[0] : i32 from vector<1xi32>
      %add3A_144 = arith.constant 4 : i32
      %add3A_145 = arith.addi %mul3A_90, %add3A_144 : i32
      %swap3A_146 = arith.index_cast %add3A_145 : i32 to index
      %swap3A_147 = memref.load %arg11[%swap3A_146] : memref<512xi32, #tpu.memory_space<smem>>
      memref.store %squeeze3A_143, %arg11[%swap3A_146] : memref<512xi32, #tpu.memory_space<smem>>
      %slice3A_148 = vector.extract_strided_slice %shift_right_arithmetic3A_84 {offsets = [5], sizes = [1], strides = [1]} : vector<16xi32> to vector<1xi32>
      %squeeze3A_149 = vector.extract %slice3A_148[0] : i32 from vector<1xi32>
      %add3A_150 = arith.constant 5 : i32
      %add3A_151 = arith.addi %mul3A_90, %add3A_150 : i32
      %swap3A_152 = arith.index_cast %add3A_151 : i32 to index
      %swap3A_153 = memref.load %arg10[%swap3A_152] : memref<512xi32, #tpu.memory_space<smem>>
      memref.store %squeeze3A_149, %arg10[%swap3A_152] : memref<512xi32, #tpu.memory_space<smem>>
      %slice3A_154 = vector.extract_strided_slice %or3A {offsets = [5], sizes = [1], strides = [1]} : vector<16xi32> to vector<1xi32>
      %squeeze3A_155 = vector.extract %slice3A_154[0] : i32 from vector<1xi32>
      %add3A_156 = arith.constant 5 : i32
      %add3A_157 = arith.addi %mul3A_90, %add3A_156 : i32
      %swap3A_158 = arith.index_cast %add3A_157 : i32 to index
      %swap3A_159 = memref.load %arg11[%swap3A_158] : memref<512xi32, #tpu.memory_space<smem>>
      memref.store %squeeze3A_155, %arg11[%swap3A_158] : memref<512xi32, #tpu.memory_space<smem>>
      %slice3A_160 = vector.extract_strided_slice %shift_right_arithmetic3A_84 {offsets = [6], sizes = [1], strides = [1]} : vector<16xi32> to vector<1xi32>
      %squeeze3A_161 = vector.extract %slice3A_160[0] : i32 from vector<1xi32>
      %add3A_162 = arith.constant 6 : i32
      %add3A_163 = arith.addi %mul3A_90, %add3A_162 : i32
      %swap3A_164 = arith.index_cast %add3A_163 : i32 to index
      %swap3A_165 = memref.load %arg10[%swap3A_164] : memref<512xi32, #tpu.memory_space<smem>>
      memref.store %squeeze3A_161, %arg10[%swap3A_164] : memref<512xi32, #tpu.memory_space<smem>>
      %slice3A_166 = vector.extract_strided_slice %or3A {offsets = [6], sizes = [1], strides = [1]} : vector<16xi32> to vector<1xi32>
      %squeeze3A_167 = vector.extract %slice3A_166[0] : i32 from vector<1xi32>
      %add3A_168 = arith.constant 6 : i32
      %add3A_169 = arith.addi %mul3A_90, %add3A_168 : i32
      %swap3A_170 = arith.index_cast %add3A_169 : i32 to index
      %swap3A_171 = memref.load %arg11[%swap3A_170] : memref<512xi32, #tpu.memory_space<smem>>
      memref.store %squeeze3A_167, %arg11[%swap3A_170] : memref<512xi32, #tpu.memory_space<smem>>
      %slice3A_172 = vector.extract_strided_slice %shift_right_arithmetic3A_84 {offsets = [7], sizes = [1], strides = [1]} : vector<16xi32> to vector<1xi32>
      %squeeze3A_173 = vector.extract %slice3A_172[0] : i32 from vector<1xi32>
      %add3A_174 = arith.constant 7 : i32
      %add3A_175 = arith.addi %mul3A_90, %add3A_174 : i32
      %swap3A_176 = arith.index_cast %add3A_175 : i32 to index
      %swap3A_177 = memref.load %arg10[%swap3A_176] : memref<512xi32, #tpu.memory_space<smem>>
      memref.store %squeeze3A_173, %arg10[%swap3A_176] : memref<512xi32, #tpu.memory_space<smem>>
      %slice3A_178 = vector.extract_strided_slice %or3A {offsets = [7], sizes = [1], strides = [1]} : vector<16xi32> to vector<1xi32>
      %squeeze3A_179 = vector.extract %slice3A_178[0] : i32 from vector<1xi32>
      %add3A_180 = arith.constant 7 : i32
      %add3A_181 = arith.addi %mul3A_90, %add3A_180 : i32
      %swap3A_182 = arith.index_cast %add3A_181 : i32 to index
      %swap3A_183 = memref.load %arg11[%swap3A_182] : memref<512xi32, #tpu.memory_space<smem>>
      memref.store %squeeze3A_179, %arg11[%swap3A_182] : memref<512xi32, #tpu.memory_space<smem>>
      %slice3A_184 = vector.extract_strided_slice %shift_right_arithmetic3A_84 {offsets = [8], sizes = [1], strides = [1]} : vector<16xi32> to vector<1xi32>
      %squeeze3A_185 = vector.extract %slice3A_184[0] : i32 from vector<1xi32>
      %add3A_186 = arith.constant 8 : i32
      %add3A_187 = arith.addi %mul3A_90, %add3A_186 : i32
      %swap3A_188 = arith.index_cast %add3A_187 : i32 to index
      %swap3A_189 = memref.load %arg10[%swap3A_188] : memref<512xi32, #tpu.memory_space<smem>>
      memref.store %squeeze3A_185, %arg10[%swap3A_188] : memref<512xi32, #tpu.memory_space<smem>>
      %slice3A_190 = vector.extract_strided_slice %or3A {offsets = [8], sizes = [1], strides = [1]} : vector<16xi32> to vector<1xi32>
      %squeeze3A_191 = vector.extract %slice3A_190[0] : i32 from vector<1xi32>
      %add3A_192 = arith.constant 8 : i32
      %add3A_193 = arith.addi %mul3A_90, %add3A_192 : i32
      %swap3A_194 = arith.index_cast %add3A_193 : i32 to index
      %swap3A_195 = memref.load %arg11[%swap3A_194] : memref<512xi32, #tpu.memory_space<smem>>
      memref.store %squeeze3A_191, %arg11[%swap3A_194] : memref<512xi32, #tpu.memory_space<smem>>
      %slice3A_196 = vector.extract_strided_slice %shift_right_arithmetic3A_84 {offsets = [9], sizes = [1], strides = [1]} : vector<16xi32> to vector<1xi32>
      %squeeze3A_197 = vector.extract %slice3A_196[0] : i32 from vector<1xi32>
      %add3A_198 = arith.constant 9 : i32
      %add3A_199 = arith.addi %mul3A_90, %add3A_198 : i32
      %swap3A_200 = arith.index_cast %add3A_199 : i32 to index
      %swap3A_201 = memref.load %arg10[%swap3A_200] : memref<512xi32, #tpu.memory_space<smem>>
      memref.store %squeeze3A_197, %arg10[%swap3A_200] : memref<512xi32, #tpu.memory_space<smem>>
      %slice3A_202 = vector.extract_strided_slice %or3A {offsets = [9], sizes = [1], strides = [1]} : vector<16xi32> to vector<1xi32>
      %squeeze3A_203 = vector.extract %slice3A_202[0] : i32 from vector<1xi32>
      %add3A_204 = arith.constant 9 : i32
      %add3A_205 = arith.addi %mul3A_90, %add3A_204 : i32
      %swap3A_206 = arith.index_cast %add3A_205 : i32 to index
      %swap3A_207 = memref.load %arg11[%swap3A_206] : memref<512xi32, #tpu.memory_space<smem>>
      memref.store %squeeze3A_203, %arg11[%swap3A_206] : memref<512xi32, #tpu.memory_space<smem>>
      %slice3A_208 = vector.extract_strided_slice %shift_right_arithmetic3A_84 {offsets = [10], sizes = [1], strides = [1]} : vector<16xi32> to vector<1xi32>
      %squeeze3A_209 = vector.extract %slice3A_208[0] : i32 from vector<1xi32>
      %add3A_210 = arith.constant 10 : i32
      %add3A_211 = arith.addi %mul3A_90, %add3A_210 : i32
      %swap3A_212 = arith.index_cast %add3A_211 : i32 to index
      %swap3A_213 = memref.load %arg10[%swap3A_212] : memref<512xi32, #tpu.memory_space<smem>>
      memref.store %squeeze3A_209, %arg10[%swap3A_212] : memref<512xi32, #tpu.memory_space<smem>>
      %slice3A_214 = vector.extract_strided_slice %or3A {offsets = [10], sizes = [1], strides = [1]} : vector<16xi32> to vector<1xi32>
      %squeeze3A_215 = vector.extract %slice3A_214[0] : i32 from vector<1xi32>
      %add3A_216 = arith.constant 10 : i32
      %add3A_217 = arith.addi %mul3A_90, %add3A_216 : i32
      %swap3A_218 = arith.index_cast %add3A_217 : i32 to index
      %swap3A_219 = memref.load %arg11[%swap3A_218] : memref<512xi32, #tpu.memory_space<smem>>
      memref.store %squeeze3A_215, %arg11[%swap3A_218] : memref<512xi32, #tpu.memory_space<smem>>
      %slice3A_220 = vector.extract_strided_slice %shift_right_arithmetic3A_84 {offsets = [11], sizes = [1], strides = [1]} : vector<16xi32> to vector<1xi32>
      %squeeze3A_221 = vector.extract %slice3A_220[0] : i32 from vector<1xi32>
      %add3A_222 = arith.constant 11 : i32
      %add3A_223 = arith.addi %mul3A_90, %add3A_222 : i32
      %swap3A_224 = arith.index_cast %add3A_223 : i32 to index
      %swap3A_225 = memref.load %arg10[%swap3A_224] : memref<512xi32, #tpu.memory_space<smem>>
      memref.store %squeeze3A_221, %arg10[%swap3A_224] : memref<512xi32, #tpu.memory_space<smem>>
      %slice3A_226 = vector.extract_strided_slice %or3A {offsets = [11], sizes = [1], strides = [1]} : vector<16xi32> to vector<1xi32>
      %squeeze3A_227 = vector.extract %slice3A_226[0] : i32 from vector<1xi32>
      %add3A_228 = arith.constant 11 : i32
      %add3A_229 = arith.addi %mul3A_90, %add3A_228 : i32
      %swap3A_230 = arith.index_cast %add3A_229 : i32 to index
      %swap3A_231 = memref.load %arg11[%swap3A_230] : memref<512xi32, #tpu.memory_space<smem>>
      memref.store %squeeze3A_227, %arg11[%swap3A_230] : memref<512xi32, #tpu.memory_space<smem>>
      %slice3A_232 = vector.extract_strided_slice %shift_right_arithmetic3A_84 {offsets = [12], sizes = [1], strides = [1]} : vector<16xi32> to vector<1xi32>
      %squeeze3A_233 = vector.extract %slice3A_232[0] : i32 from vector<1xi32>
      %add3A_234 = arith.constant 12 : i32
      %add3A_235 = arith.addi %mul3A_90, %add3A_234 : i32
      %swap3A_236 = arith.index_cast %add3A_235 : i32 to index
      %swap3A_237 = memref.load %arg10[%swap3A_236] : memref<512xi32, #tpu.memory_space<smem>>
      memref.store %squeeze3A_233, %arg10[%swap3A_236] : memref<512xi32, #tpu.memory_space<smem>>
      %slice3A_238 = vector.extract_strided_slice %or3A {offsets = [12], sizes = [1], strides = [1]} : vector<16xi32> to vector<1xi32>
      %squeeze3A_239 = vector.extract %slice3A_238[0] : i32 from vector<1xi32>
      %add3A_240 = arith.constant 12 : i32
      %add3A_241 = arith.addi %mul3A_90, %add3A_240 : i32
      %swap3A_242 = arith.index_cast %add3A_241 : i32 to index
      %swap3A_243 = memref.load %arg11[%swap3A_242] : memref<512xi32, #tpu.memory_space<smem>>
      memref.store %squeeze3A_239, %arg11[%swap3A_242] : memref<512xi32, #tpu.memory_space<smem>>
      %slice3A_244 = vector.extract_strided_slice %shift_right_arithmetic3A_84 {offsets = [13], sizes = [1], strides = [1]} : vector<16xi32> to vector<1xi32>
      %squeeze3A_245 = vector.extract %slice3A_244[0] : i32 from vector<1xi32>
      %add3A_246 = arith.constant 13 : i32
      %add3A_247 = arith.addi %mul3A_90, %add3A_246 : i32
      %swap3A_248 = arith.index_cast %add3A_247 : i32 to index
      %swap3A_249 = memref.load %arg10[%swap3A_248] : memref<512xi32, #tpu.memory_space<smem>>
      memref.store %squeeze3A_245, %arg10[%swap3A_248] : memref<512xi32, #tpu.memory_space<smem>>
      %slice3A_250 = vector.extract_strided_slice %or3A {offsets = [13], sizes = [1], strides = [1]} : vector<16xi32> to vector<1xi32>
      %squeeze3A_251 = vector.extract %slice3A_250[0] : i32 from vector<1xi32>
      %add3A_252 = arith.constant 13 : i32
      %add3A_253 = arith.addi %mul3A_90, %add3A_252 : i32
      %swap3A_254 = arith.index_cast %add3A_253 : i32 to index
      %swap3A_255 = memref.load %arg11[%swap3A_254] : memref<512xi32, #tpu.memory_space<smem>>
      memref.store %squeeze3A_251, %arg11[%swap3A_254] : memref<512xi32, #tpu.memory_space<smem>>
      %slice3A_256 = vector.extract_strided_slice %shift_right_arithmetic3A_84 {offsets = [14], sizes = [1], strides = [1]} : vector<16xi32> to vector<1xi32>
      %squeeze3A_257 = vector.extract %slice3A_256[0] : i32 from vector<1xi32>
      %add3A_258 = arith.constant 14 : i32
      %add3A_259 = arith.addi %mul3A_90, %add3A_258 : i32
      %swap3A_260 = arith.index_cast %add3A_259 : i32 to index
      %swap3A_261 = memref.load %arg10[%swap3A_260] : memref<512xi32, #tpu.memory_space<smem>>
      memref.store %squeeze3A_257, %arg10[%swap3A_260] : memref<512xi32, #tpu.memory_space<smem>>
      %slice3A_262 = vector.extract_strided_slice %or3A {offsets = [14], sizes = [1], strides = [1]} : vector<16xi32> to vector<1xi32>
      %squeeze3A_263 = vector.extract %slice3A_262[0] : i32 from vector<1xi32>
      %add3A_264 = arith.constant 14 : i32
      %add3A_265 = arith.addi %mul3A_90, %add3A_264 : i32
      %swap3A_266 = arith.index_cast %add3A_265 : i32 to index
      %swap3A_267 = memref.load %arg11[%swap3A_266] : memref<512xi32, #tpu.memory_space<smem>>
      memref.store %squeeze3A_263, %arg11[%swap3A_266] : memref<512xi32, #tpu.memory_space<smem>>
      %slice3A_268 = vector.extract_strided_slice %shift_right_arithmetic3A_84 {offsets = [15], sizes = [1], strides = [1]} : vector<16xi32> to vector<1xi32>
      %squeeze3A_269 = vector.extract %slice3A_268[0] : i32 from vector<1xi32>
      %add3A_270 = arith.constant 15 : i32
      %add3A_271 = arith.addi %mul3A_90, %add3A_270 : i32
      %swap3A_272 = arith.index_cast %add3A_271 : i32 to index
      %swap3A_273 = memref.load %arg10[%swap3A_272] : memref<512xi32, #tpu.memory_space<smem>>
      memref.store %squeeze3A_269, %arg10[%swap3A_272] : memref<512xi32, #tpu.memory_space<smem>>
      %slice3A_274 = vector.extract_strided_slice %or3A {offsets = [15], sizes = [1], strides = [1]} : vector<16xi32> to vector<1xi32>
      %squeeze3A_275 = vector.extract %slice3A_274[0] : i32 from vector<1xi32>
      %add3A_276 = arith.constant 15 : i32
      %add3A_277 = arith.addi %mul3A_90, %add3A_276 : i32
      %swap3A_278 = arith.index_cast %add3A_277 : i32 to index
      %swap3A_279 = memref.load %arg11[%swap3A_278] : memref<512xi32, #tpu.memory_space<smem>>
      memref.store %squeeze3A_275, %arg11[%swap3A_278] : memref<512xi32, #tpu.memory_space<smem>>
      %scan3A_280 = arith.constant 0 : i32
      scf.yield %scan3A_280 : i32
    }
    %scan3A_8 = arith.constant 32 : i32
    %get3A = arith.constant 0 : i32
    %get3A_9 = arith.index_cast %get3A : i32 to index
    %get3A_10 = memref.load %arg10[%get3A_9] : memref<512xi32, #tpu.memory_space<smem>>
    %mul3A_11 = arith.constant 128 : i32
    %mul3A_12 = arith.muli %get3A_10, %mul3A_11 : i32
    %multiple_of3A = tpu.assume_multiple %mul3A_12, 128 : i32
    %eq3A = arith.constant 0 : i32
    %eq3A_13 = arith.constant 0 : i32
    %eq3A_14 = arith.cmpi eq, %eq3A, %eq3A_13 : i32
    %convert_element_type3A = arith.extui %eq3A_14 : i1 to i32
    %cond3A = arith.constant 0 : i32
    %cond3A_15 = arith.cmpi ne, %convert_element_type3A, %cond3A : i32
    scf.if %cond3A_15 {
      %dma_start3A = arith.constant 0 : i32
      %dma_start3A_73 = arith.constant 0 : i32
      %dma_start3A_74 = arith.constant 0 : i32
      %dma_start3A_75 = tpu.memref_slice %arg8[%dma_start3A, %dma_start3A_73, %dma_start3A_74] : memref<8x64x128xf32, #tpu.memory_space<vmem>> -> memref<1x64x128xf32, #tpu.memory_space<vmem>>
      %dma_start3A_76 = tpu.memref_squeeze %dma_start3A_75 : memref<1x64x128xf32, #tpu.memory_space<vmem>> -> memref<64x128xf32, #tpu.memory_space<vmem>>
      %dma_start3A_77 = arith.constant 0 : i32
      %dma_start3A_78 = tpu.memref_slice %arg4[%dma_start3A_77, %multiple_of3A] : memref<64x1000000xf32, #tpu.memory_space<hbm>> -> memref<64x128xf32, #tpu.memory_space<hbm>>
      %dma_start3A_79 = arith.constant 0 : i32
      %dma_start3A_80 = arith.constant 0 : i32
      %dma_start3A_81 = tpu.memref_slice %arg8[%dma_start3A, %dma_start3A_79, %dma_start3A_80] : memref<8x64x128xf32, #tpu.memory_space<vmem>> -> memref<1x64x128xf32, #tpu.memory_space<vmem>>
      %dma_start3A_82 = tpu.memref_squeeze %dma_start3A_81 : memref<1x64x128xf32, #tpu.memory_space<vmem>> -> memref<64x128xf32, #tpu.memory_space<vmem>>
      %dma_start3A_83 = arith.constant 0 : i32
      %dma_start3A_84 = tpu.memref_slice %arg4[%dma_start3A_83, %multiple_of3A] : memref<64x1000000xf32, #tpu.memory_space<hbm>> -> memref<64x128xf32, #tpu.memory_space<hbm>>
      tpu.enqueue_dma source(%dma_start3A_84 : memref<64x128xf32, #tpu.memory_space<hbm>>) target(%dma_start3A_82 : memref<64x128xf32, #tpu.memory_space<vmem>>) target_semaphore(%arg12 : memref<!tpu.dma_semaphore, #tpu.memory_space<semaphore_mem>>)
    } else {
    }
    %eq3A_16 = arith.constant 0 : i32
    %eq3A_17 = arith.constant 1 : i32
    %eq3A_18 = arith.cmpi eq, %eq3A_16, %eq3A_17 : i32
    %convert_element_type3A_19 = arith.extui %eq3A_18 : i1 to i32
    %cond3A_20 = arith.constant 0 : i32
    %cond3A_21 = arith.cmpi ne, %convert_element_type3A_19, %cond3A_20 : i32
    scf.if %cond3A_21 {
      %dma_start3A = arith.constant 1 : i32
      %dma_start3A_73 = arith.constant 0 : i32
      %dma_start3A_74 = arith.constant 0 : i32
      %dma_start3A_75 = tpu.memref_slice %arg8[%dma_start3A, %dma_start3A_73, %dma_start3A_74] : memref<8x64x128xf32, #tpu.memory_space<vmem>> -> memref<1x64x128xf32, #tpu.memory_space<vmem>>
      %dma_start3A_76 = tpu.memref_squeeze %dma_start3A_75 : memref<1x64x128xf32, #tpu.memory_space<vmem>> -> memref<64x128xf32, #tpu.memory_space<vmem>>
      %dma_start3A_77 = arith.constant 0 : i32
      %dma_start3A_78 = tpu.memref_slice %arg4[%dma_start3A_77, %multiple_of3A] : memref<64x1000000xf32, #tpu.memory_space<hbm>> -> memref<64x128xf32, #tpu.memory_space<hbm>>
      %dma_start3A_79 = arith.constant 0 : i32
      %dma_start3A_80 = arith.constant 0 : i32
      %dma_start3A_81 = tpu.memref_slice %arg8[%dma_start3A, %dma_start3A_79, %dma_start3A_80] : memref<8x64x128xf32, #tpu.memory_space<vmem>> -> memref<1x64x128xf32, #tpu.memory_space<vmem>>
      %dma_start3A_82 = tpu.memref_squeeze %dma_start3A_81 : memref<1x64x128xf32, #tpu.memory_space<vmem>> -> memref<64x128xf32, #tpu.memory_space<vmem>>
      %dma_start3A_83 = arith.constant 0 : i32
      %dma_start3A_84 = tpu.memref_slice %arg4[%dma_start3A_83, %multiple_of3A] : memref<64x1000000xf32, #tpu.memory_space<hbm>> -> memref<64x128xf32, #tpu.memory_space<hbm>>
      tpu.enqueue_dma source(%dma_start3A_84 : memref<64x128xf32, #tpu.memory_space<hbm>>) target(%dma_start3A_82 : memref<64x128xf32, #tpu.memory_space<vmem>>) target_semaphore(%arg13 : memref<!tpu.dma_semaphore, #tpu.memory_space<semaphore_mem>>)
    } else {
    }
    %eq3A_22 = arith.constant 0 : i32
    %eq3A_23 = arith.constant 2 : i32
    %eq3A_24 = arith.cmpi eq, %eq3A_22, %eq3A_23 : i32
    %convert_element_type3A_25 = arith.extui %eq3A_24 : i1 to i32
    %cond3A_26 = arith.constant 0 : i32
    %cond3A_27 = arith.cmpi ne, %convert_element_type3A_25, %cond3A_26 : i32
    scf.if %cond3A_27 {
      %dma_start3A = arith.constant 2 : i32
      %dma_start3A_73 = arith.constant 0 : i32
      %dma_start3A_74 = arith.constant 0 : i32
      %dma_start3A_75 = tpu.memref_slice %arg8[%dma_start3A, %dma_start3A_73, %dma_start3A_74] : memref<8x64x128xf32, #tpu.memory_space<vmem>> -> memref<1x64x128xf32, #tpu.memory_space<vmem>>
      %dma_start3A_76 = tpu.memref_squeeze %dma_start3A_75 : memref<1x64x128xf32, #tpu.memory_space<vmem>> -> memref<64x128xf32, #tpu.memory_space<vmem>>
      %dma_start3A_77 = arith.constant 0 : i32
      %dma_start3A_78 = tpu.memref_slice %arg4[%dma_start3A_77, %multiple_of3A] : memref<64x1000000xf32, #tpu.memory_space<hbm>> -> memref<64x128xf32, #tpu.memory_space<hbm>>
      %dma_start3A_79 = arith.constant 0 : i32
      %dma_start3A_80 = arith.constant 0 : i32
      %dma_start3A_81 = tpu.memref_slice %arg8[%dma_start3A, %dma_start3A_79, %dma_start3A_80] : memref<8x64x128xf32, #tpu.memory_space<vmem>> -> memref<1x64x128xf32, #tpu.memory_space<vmem>>
      %dma_start3A_82 = tpu.memref_squeeze %dma_start3A_81 : memref<1x64x128xf32, #tpu.memory_space<vmem>> -> memref<64x128xf32, #tpu.memory_space<vmem>>
      %dma_start3A_83 = arith.constant 0 : i32
      %dma_start3A_84 = tpu.memref_slice %arg4[%dma_start3A_83, %multiple_of3A] : memref<64x1000000xf32, #tpu.memory_space<hbm>> -> memref<64x128xf32, #tpu.memory_space<hbm>>
      tpu.enqueue_dma source(%dma_start3A_84 : memref<64x128xf32, #tpu.memory_space<hbm>>) target(%dma_start3A_82 : memref<64x128xf32, #tpu.memory_space<vmem>>) target_semaphore(%arg14 : memref<!tpu.dma_semaphore, #tpu.memory_space<semaphore_mem>>)
    } else {
    }
    %eq3A_28 = arith.constant 0 : i32
    %eq3A_29 = arith.constant 3 : i32
    %eq3A_30 = arith.cmpi eq, %eq3A_28, %eq3A_29 : i32
    %convert_element_type3A_31 = arith.extui %eq3A_30 : i1 to i32
    %cond3A_32 = arith.constant 0 : i32
    %cond3A_33 = arith.cmpi ne, %convert_element_type3A_31, %cond3A_32 : i32
    scf.if %cond3A_33 {
      %dma_start3A = arith.constant 3 : i32
      %dma_start3A_73 = arith.constant 0 : i32
      %dma_start3A_74 = arith.constant 0 : i32
      %dma_start3A_75 = tpu.memref_slice %arg8[%dma_start3A, %dma_start3A_73, %dma_start3A_74] : memref<8x64x128xf32, #tpu.memory_space<vmem>> -> memref<1x64x128xf32, #tpu.memory_space<vmem>>
      %dma_start3A_76 = tpu.memref_squeeze %dma_start3A_75 : memref<1x64x128xf32, #tpu.memory_space<vmem>> -> memref<64x128xf32, #tpu.memory_space<vmem>>
      %dma_start3A_77 = arith.constant 0 : i32
      %dma_start3A_78 = tpu.memref_slice %arg4[%dma_start3A_77, %multiple_of3A] : memref<64x1000000xf32, #tpu.memory_space<hbm>> -> memref<64x128xf32, #tpu.memory_space<hbm>>
      %dma_start3A_79 = arith.constant 0 : i32
      %dma_start3A_80 = arith.constant 0 : i32
      %dma_start3A_81 = tpu.memref_slice %arg8[%dma_start3A, %dma_start3A_79, %dma_start3A_80] : memref<8x64x128xf32, #tpu.memory_space<vmem>> -> memref<1x64x128xf32, #tpu.memory_space<vmem>>
      %dma_start3A_82 = tpu.memref_squeeze %dma_start3A_81 : memref<1x64x128xf32, #tpu.memory_space<vmem>> -> memref<64x128xf32, #tpu.memory_space<vmem>>
      %dma_start3A_83 = arith.constant 0 : i32
      %dma_start3A_84 = tpu.memref_slice %arg4[%dma_start3A_83, %multiple_of3A] : memref<64x1000000xf32, #tpu.memory_space<hbm>> -> memref<64x128xf32, #tpu.memory_space<hbm>>
      tpu.enqueue_dma source(%dma_start3A_84 : memref<64x128xf32, #tpu.memory_space<hbm>>) target(%dma_start3A_82 : memref<64x128xf32, #tpu.memory_space<vmem>>) target_semaphore(%arg15 : memref<!tpu.dma_semaphore, #tpu.memory_space<semaphore_mem>>)
    } else {
    }
    %eq3A_34 = arith.constant 0 : i32
    %eq3A_35 = arith.constant 4 : i32
    %eq3A_36 = arith.cmpi eq, %eq3A_34, %eq3A_35 : i32
    %convert_element_type3A_37 = arith.extui %eq3A_36 : i1 to i32
    %cond3A_38 = arith.constant 0 : i32
    %cond3A_39 = arith.cmpi ne, %convert_element_type3A_37, %cond3A_38 : i32
    scf.if %cond3A_39 {
      %dma_start3A = arith.constant 4 : i32
      %dma_start3A_73 = arith.constant 0 : i32
      %dma_start3A_74 = arith.constant 0 : i32
      %dma_start3A_75 = tpu.memref_slice %arg8[%dma_start3A, %dma_start3A_73, %dma_start3A_74] : memref<8x64x128xf32, #tpu.memory_space<vmem>> -> memref<1x64x128xf32, #tpu.memory_space<vmem>>
      %dma_start3A_76 = tpu.memref_squeeze %dma_start3A_75 : memref<1x64x128xf32, #tpu.memory_space<vmem>> -> memref<64x128xf32, #tpu.memory_space<vmem>>
      %dma_start3A_77 = arith.constant 0 : i32
      %dma_start3A_78 = tpu.memref_slice %arg4[%dma_start3A_77, %multiple_of3A] : memref<64x1000000xf32, #tpu.memory_space<hbm>> -> memref<64x128xf32, #tpu.memory_space<hbm>>
      %dma_start3A_79 = arith.constant 0 : i32
      %dma_start3A_80 = arith.constant 0 : i32
      %dma_start3A_81 = tpu.memref_slice %arg8[%dma_start3A, %dma_start3A_79, %dma_start3A_80] : memref<8x64x128xf32, #tpu.memory_space<vmem>> -> memref<1x64x128xf32, #tpu.memory_space<vmem>>
      %dma_start3A_82 = tpu.memref_squeeze %dma_start3A_81 : memref<1x64x128xf32, #tpu.memory_space<vmem>> -> memref<64x128xf32, #tpu.memory_space<vmem>>
      %dma_start3A_83 = arith.constant 0 : i32
      %dma_start3A_84 = tpu.memref_slice %arg4[%dma_start3A_83, %multiple_of3A] : memref<64x1000000xf32, #tpu.memory_space<hbm>> -> memref<64x128xf32, #tpu.memory_space<hbm>>
      tpu.enqueue_dma source(%dma_start3A_84 : memref<64x128xf32, #tpu.memory_space<hbm>>) target(%dma_start3A_82 : memref<64x128xf32, #tpu.memory_space<vmem>>) target_semaphore(%arg16 : memref<!tpu.dma_semaphore, #tpu.memory_space<semaphore_mem>>)
    } else {
    }
    %eq3A_40 = arith.constant 0 : i32
    %eq3A_41 = arith.constant 5 : i32
    %eq3A_42 = arith.cmpi eq, %eq3A_40, %eq3A_41 : i32
    %convert_element_type3A_43 = arith.extui %eq3A_42 : i1 to i32
    %cond3A_44 = arith.constant 0 : i32
    %cond3A_45 = arith.cmpi ne, %convert_element_type3A_43, %cond3A_44 : i32
    scf.if %cond3A_45 {
      %dma_start3A = arith.constant 5 : i32
      %dma_start3A_73 = arith.constant 0 : i32
      %dma_start3A_74 = arith.constant 0 : i32
      %dma_start3A_75 = tpu.memref_slice %arg8[%dma_start3A, %dma_start3A_73, %dma_start3A_74] : memref<8x64x128xf32, #tpu.memory_space<vmem>> -> memref<1x64x128xf32, #tpu.memory_space<vmem>>
      %dma_start3A_76 = tpu.memref_squeeze %dma_start3A_75 : memref<1x64x128xf32, #tpu.memory_space<vmem>> -> memref<64x128xf32, #tpu.memory_space<vmem>>
      %dma_start3A_77 = arith.constant 0 : i32
      %dma_start3A_78 = tpu.memref_slice %arg4[%dma_start3A_77, %multiple_of3A] : memref<64x1000000xf32, #tpu.memory_space<hbm>> -> memref<64x128xf32, #tpu.memory_space<hbm>>
      %dma_start3A_79 = arith.constant 0 : i32
      %dma_start3A_80 = arith.constant 0 : i32
      %dma_start3A_81 = tpu.memref_slice %arg8[%dma_start3A, %dma_start3A_79, %dma_start3A_80] : memref<8x64x128xf32, #tpu.memory_space<vmem>> -> memref<1x64x128xf32, #tpu.memory_space<vmem>>
      %dma_start3A_82 = tpu.memref_squeeze %dma_start3A_81 : memref<1x64x128xf32, #tpu.memory_space<vmem>> -> memref<64x128xf32, #tpu.memory_space<vmem>>
      %dma_start3A_83 = arith.constant 0 : i32
      %dma_start3A_84 = tpu.memref_slice %arg4[%dma_start3A_83, %multiple_of3A] : memref<64x1000000xf32, #tpu.memory_space<hbm>> -> memref<64x128xf32, #tpu.memory_space<hbm>>
      tpu.enqueue_dma source(%dma_start3A_84 : memref<64x128xf32, #tpu.memory_space<hbm>>) target(%dma_start3A_82 : memref<64x128xf32, #tpu.memory_space<vmem>>) target_semaphore(%arg17 : memref<!tpu.dma_semaphore, #tpu.memory_space<semaphore_mem>>)
    } else {
    }
    %eq3A_46 = arith.constant 0 : i32
    %eq3A_47 = arith.constant 6 : i32
    %eq3A_48 = arith.cmpi eq, %eq3A_46, %eq3A_47 : i32
    %convert_element_type3A_49 = arith.extui %eq3A_48 : i1 to i32
    %cond3A_50 = arith.constant 0 : i32
    %cond3A_51 = arith.cmpi ne, %convert_element_type3A_49, %cond3A_50 : i32
    scf.if %cond3A_51 {
      %dma_start3A = arith.constant 6 : i32
      %dma_start3A_73 = arith.constant 0 : i32
      %dma_start3A_74 = arith.constant 0 : i32
      %dma_start3A_75 = tpu.memref_slice %arg8[%dma_start3A, %dma_start3A_73, %dma_start3A_74] : memref<8x64x128xf32, #tpu.memory_space<vmem>> -> memref<1x64x128xf32, #tpu.memory_space<vmem>>
      %dma_start3A_76 = tpu.memref_squeeze %dma_start3A_75 : memref<1x64x128xf32, #tpu.memory_space<vmem>> -> memref<64x128xf32, #tpu.memory_space<vmem>>
      %dma_start3A_77 = arith.constant 0 : i32
      %dma_start3A_78 = tpu.memref_slice %arg4[%dma_start3A_77, %multiple_of3A] : memref<64x1000000xf32, #tpu.memory_space<hbm>> -> memref<64x128xf32, #tpu.memory_space<hbm>>
      %dma_start3A_79 = arith.constant 0 : i32
      %dma_start3A_80 = arith.constant 0 : i32
      %dma_start3A_81 = tpu.memref_slice %arg8[%dma_start3A, %dma_start3A_79, %dma_start3A_80] : memref<8x64x128xf32, #tpu.memory_space<vmem>> -> memref<1x64x128xf32, #tpu.memory_space<vmem>>
      %dma_start3A_82 = tpu.memref_squeeze %dma_start3A_81 : memref<1x64x128xf32, #tpu.memory_space<vmem>> -> memref<64x128xf32, #tpu.memory_space<vmem>>
      %dma_start3A_83 = arith.constant 0 : i32
      %dma_start3A_84 = tpu.memref_slice %arg4[%dma_start3A_83, %multiple_of3A] : memref<64x1000000xf32, #tpu.memory_space<hbm>> -> memref<64x128xf32, #tpu.memory_space<hbm>>
      tpu.enqueue_dma source(%dma_start3A_84 : memref<64x128xf32, #tpu.memory_space<hbm>>) target(%dma_start3A_82 : memref<64x128xf32, #tpu.memory_space<vmem>>) target_semaphore(%arg18 : memref<!tpu.dma_semaphore, #tpu.memory_space<semaphore_mem>>)
    } else {
    }
    %eq3A_52 = arith.constant 0 : i32
    %eq3A_53 = arith.constant 7 : i32
    %eq3A_54 = arith.cmpi eq, %eq3A_52, %eq3A_53 : i32
    %convert_element_type3A_55 = arith.extui %eq3A_54 : i1 to i32
    %cond3A_56 = arith.constant 0 : i32
    %cond3A_57 = arith.cmpi ne, %convert_element_type3A_55, %cond3A_56 : i32
    scf.if %cond3A_57 {
      %dma_start3A = arith.constant 7 : i32
      %dma_start3A_73 = arith.constant 0 : i32
      %dma_start3A_74 = arith.constant 0 : i32
      %dma_start3A_75 = tpu.memref_slice %arg8[%dma_start3A, %dma_start3A_73, %dma_start3A_74] : memref<8x64x128xf32, #tpu.memory_space<vmem>> -> memref<1x64x128xf32, #tpu.memory_space<vmem>>
      %dma_start3A_76 = tpu.memref_squeeze %dma_start3A_75 : memref<1x64x128xf32, #tpu.memory_space<vmem>> -> memref<64x128xf32, #tpu.memory_space<vmem>>
      %dma_start3A_77 = arith.constant 0 : i32
      %dma_start3A_78 = tpu.memref_slice %arg4[%dma_start3A_77, %multiple_of3A] : memref<64x1000000xf32, #tpu.memory_space<hbm>> -> memref<64x128xf32, #tpu.memory_space<hbm>>
      %dma_start3A_79 = arith.constant 0 : i32
      %dma_start3A_80 = arith.constant 0 : i32
      %dma_start3A_81 = tpu.memref_slice %arg8[%dma_start3A, %dma_start3A_79, %dma_start3A_80] : memref<8x64x128xf32, #tpu.memory_space<vmem>> -> memref<1x64x128xf32, #tpu.memory_space<vmem>>
      %dma_start3A_82 = tpu.memref_squeeze %dma_start3A_81 : memref<1x64x128xf32, #tpu.memory_space<vmem>> -> memref<64x128xf32, #tpu.memory_space<vmem>>
      %dma_start3A_83 = arith.constant 0 : i32
      %dma_start3A_84 = tpu.memref_slice %arg4[%dma_start3A_83, %multiple_of3A] : memref<64x1000000xf32, #tpu.memory_space<hbm>> -> memref<64x128xf32, #tpu.memory_space<hbm>>
      tpu.enqueue_dma source(%dma_start3A_84 : memref<64x128xf32, #tpu.memory_space<hbm>>) target(%dma_start3A_82 : memref<64x128xf32, #tpu.memory_space<vmem>>) target_semaphore(%arg19 : memref<!tpu.dma_semaphore, #tpu.memory_space<semaphore_mem>>)
    } else {
    }
    %scan3A_58 = arith.constant 1 : i32
    %scan3A_59 = arith.constant 1 : i32
    %scan3A_60 = arith.constant 0 : i32
    %scan3A_61 = arith.constant 0 : i32
    %scan3A_62 = arith.constant 512 : i32
    %scan3A_63 = arith.addi %scan3A_61, %scan3A_62 : i32
    %scan3A_64 = arith.constant 1 : i32
    %scan3A_65:3 = scf.for %scan3A_73 = %scan3A_61 to %scan3A_63 step %scan3A_64 iter_args(%scan3A_74 = %scan3A_58, %scan3A_75 = %scan3A_59, %scan3A_76 = %scan3A_60) -> (i32, i32, i32)  : i32 {
      %lt3A = arith.constant 512 : i32
      %lt3A_77 = arith.cmpi slt, %scan3A_74, %lt3A : i32
      %min3A = arith.constant 511 : i32
      %min3A_78 = arith.minsi %scan3A_74, %min3A : i32
      %get3A_79 = arith.index_cast %min3A_78 : i32 to index
      %get3A_80 = memref.load %arg10[%get3A_79] : memref<512xi32, #tpu.memory_space<smem>>
      %sub3A = arith.constant 1 : i32
      %sub3A_81 = arith.subi %scan3A_74, %sub3A : i32
      %min3A_82 = arith.constant 511 : i32
      %min3A_83 = arith.minsi %sub3A_81, %min3A_82 : i32
      %get3A_84 = arith.index_cast %min3A_83 : i32 to index
      %get3A_85 = memref.load %arg10[%get3A_84] : memref<512xi32, #tpu.memory_space<smem>>
      %ne3A = arith.cmpi ne, %get3A_80, %get3A_85 : i32
      %and3A = arith.andi %lt3A_77, %ne3A : i1
      %add3A_86 = arith.constant 8 : i32
      %add3A_87 = arith.addi %scan3A_76, %add3A_86 : i32
      %sub3A_88 = arith.constant 1 : i32
      %sub3A_89 = arith.subi %add3A_87, %sub3A_88 : i32
      %lt3A_90 = arith.cmpi slt, %scan3A_75, %sub3A_89 : i32
      %and3A_91 = arith.andi %and3A, %lt3A_90 : i1
      %convert_element_type3A_92 = arith.extui %and3A_91 : i1 to i32
      %cond3A_93 = arith.constant 0 : i32
      %cond3A_94 = arith.cmpi ne, %convert_element_type3A_92, %cond3A_93 : i32
      scf.if %cond3A_94 {
        %jit3A_212 = arith.constant 8 : i32
        %eq3A_213 = arith.constant 0 : i32
        %eq3A_214 = arith.cmpi eq, %jit3A_212, %eq3A_213 : i32
        %jit3A_215 = arith.constant 1 : i32
        %select_n3A_216 = arith.select %eq3A_214, %jit3A_215, %jit3A_212 : i32
        %rem3A_217 = arith.remsi %scan3A_75, %select_n3A_216 : i32
        %ne3A_218 = arith.constant 0 : i32
        %ne3A_219 = arith.cmpi ne, %rem3A_217, %ne3A_218 : i32
        %lt3A_220 = arith.constant 0 : i32
        %lt3A_221 = arith.cmpi slt, %rem3A_217, %lt3A_220 : i32
        %lt3A_222 = arith.constant 0 : i32
        %lt3A_223 = arith.cmpi slt, %select_n3A_216, %lt3A_222 : i32
        %ne3A_224 = arith.xori %lt3A_221, %lt3A_223 : i1
        %and3A_225 = arith.andi %ne3A_224, %ne3A_219 : i1
        %add3A_226 = arith.addi %rem3A_217, %select_n3A_216 : i32
        %select_n3A_227 = arith.select %and3A_225, %add3A_226, %rem3A_217 : i32
        %mul3A_228 = arith.constant 128 : i32
        %mul3A_229 = arith.muli %get3A_80, %mul3A_228 : i32
        %multiple_of3A_230 = tpu.assume_multiple %mul3A_229, 128 : i32
        %eq3A_231 = arith.constant 0 : i32
        %eq3A_232 = arith.cmpi eq, %select_n3A_227, %eq3A_231 : i32
        %convert_element_type3A_233 = arith.extui %eq3A_232 : i1 to i32
        %cond3A_234 = arith.constant 0 : i32
        %cond3A_235 = arith.cmpi ne, %convert_element_type3A_233, %cond3A_234 : i32
        scf.if %cond3A_235 {
          %dma_start3A_271 = arith.constant 0 : i32
          %dma_start3A_272 = arith.constant 0 : i32
          %dma_start3A_273 = arith.constant 0 : i32
          %dma_start3A_274 = tpu.memref_slice %arg8[%dma_start3A_271, %dma_start3A_272, %dma_start3A_273] : memref<8x64x128xf32, #tpu.memory_space<vmem>> -> memref<1x64x128xf32, #tpu.memory_space<vmem>>
          %dma_start3A_275 = tpu.memref_squeeze %dma_start3A_274 : memref<1x64x128xf32, #tpu.memory_space<vmem>> -> memref<64x128xf32, #tpu.memory_space<vmem>>
          %dma_start3A_276 = arith.constant 0 : i32
          %dma_start3A_277 = tpu.memref_slice %arg4[%dma_start3A_276, %multiple_of3A_230] : memref<64x1000000xf32, #tpu.memory_space<hbm>> -> memref<64x128xf32, #tpu.memory_space<hbm>>
          %dma_start3A_278 = arith.constant 0 : i32
          %dma_start3A_279 = arith.constant 0 : i32
          %dma_start3A_280 = tpu.memref_slice %arg8[%dma_start3A_271, %dma_start3A_278, %dma_start3A_279] : memref<8x64x128xf32, #tpu.memory_space<vmem>> -> memref<1x64x128xf32, #tpu.memory_space<vmem>>
          %dma_start3A_281 = tpu.memref_squeeze %dma_start3A_280 : memref<1x64x128xf32, #tpu.memory_space<vmem>> -> memref<64x128xf32, #tpu.memory_space<vmem>>
          %dma_start3A_282 = arith.constant 0 : i32
          %dma_start3A_283 = tpu.memref_slice %arg4[%dma_start3A_282, %multiple_of3A_230] : memref<64x1000000xf32, #tpu.memory_space<hbm>> -> memref<64x128xf32, #tpu.memory_space<hbm>>
          tpu.enqueue_dma source(%dma_start3A_283 : memref<64x128xf32, #tpu.memory_space<hbm>>) target(%dma_start3A_281 : memref<64x128xf32, #tpu.memory_space<vmem>>) target_semaphore(%arg12 : memref<!tpu.dma_semaphore, #tpu.memory_space<semaphore_mem>>)
        } else {
        }
        %eq3A_236 = arith.constant 1 : i32
        %eq3A_237 = arith.cmpi eq, %select_n3A_227, %eq3A_236 : i32
        %convert_element_type3A_238 = arith.extui %eq3A_237 : i1 to i32
        %cond3A_239 = arith.constant 0 : i32
        %cond3A_240 = arith.cmpi ne, %convert_element_type3A_238, %cond3A_239 : i32
        scf.if %cond3A_240 {
          %dma_start3A_271 = arith.constant 1 : i32
          %dma_start3A_272 = arith.constant 0 : i32
          %dma_start3A_273 = arith.constant 0 : i32
          %dma_start3A_274 = tpu.memref_slice %arg8[%dma_start3A_271, %dma_start3A_272, %dma_start3A_273] : memref<8x64x128xf32, #tpu.memory_space<vmem>> -> memref<1x64x128xf32, #tpu.memory_space<vmem>>
          %dma_start3A_275 = tpu.memref_squeeze %dma_start3A_274 : memref<1x64x128xf32, #tpu.memory_space<vmem>> -> memref<64x128xf32, #tpu.memory_space<vmem>>
          %dma_start3A_276 = arith.constant 0 : i32
          %dma_start3A_277 = tpu.memref_slice %arg4[%dma_start3A_276, %multiple_of3A_230] : memref<64x1000000xf32, #tpu.memory_space<hbm>> -> memref<64x128xf32, #tpu.memory_space<hbm>>
          %dma_start3A_278 = arith.constant 0 : i32
          %dma_start3A_279 = arith.constant 0 : i32
          %dma_start3A_280 = tpu.memref_slice %arg8[%dma_start3A_271, %dma_start3A_278, %dma_start3A_279] : memref<8x64x128xf32, #tpu.memory_space<vmem>> -> memref<1x64x128xf32, #tpu.memory_space<vmem>>
          %dma_start3A_281 = tpu.memref_squeeze %dma_start3A_280 : memref<1x64x128xf32, #tpu.memory_space<vmem>> -> memref<64x128xf32, #tpu.memory_space<vmem>>
          %dma_start3A_282 = arith.constant 0 : i32
          %dma_start3A_283 = tpu.memref_slice %arg4[%dma_start3A_282, %multiple_of3A_230] : memref<64x1000000xf32, #tpu.memory_space<hbm>> -> memref<64x128xf32, #tpu.memory_space<hbm>>
          tpu.enqueue_dma source(%dma_start3A_283 : memref<64x128xf32, #tpu.memory_space<hbm>>) target(%dma_start3A_281 : memref<64x128xf32, #tpu.memory_space<vmem>>) target_semaphore(%arg13 : memref<!tpu.dma_semaphore, #tpu.memory_space<semaphore_mem>>)
        } else {
        }
        %eq3A_241 = arith.constant 2 : i32
        %eq3A_242 = arith.cmpi eq, %select_n3A_227, %eq3A_241 : i32
        %convert_element_type3A_243 = arith.extui %eq3A_242 : i1 to i32
        %cond3A_244 = arith.constant 0 : i32
        %cond3A_245 = arith.cmpi ne, %convert_element_type3A_243, %cond3A_244 : i32
        scf.if %cond3A_245 {
          %dma_start3A_271 = arith.constant 2 : i32
          %dma_start3A_272 = arith.constant 0 : i32
          %dma_start3A_273 = arith.constant 0 : i32
          %dma_start3A_274 = tpu.memref_slice %arg8[%dma_start3A_271, %dma_start3A_272, %dma_start3A_273] : memref<8x64x128xf32, #tpu.memory_space<vmem>> -> memref<1x64x128xf32, #tpu.memory_space<vmem>>
          %dma_start3A_275 = tpu.memref_squeeze %dma_start3A_274 : memref<1x64x128xf32, #tpu.memory_space<vmem>> -> memref<64x128xf32, #tpu.memory_space<vmem>>
          %dma_start3A_276 = arith.constant 0 : i32
          %dma_start3A_277 = tpu.memref_slice %arg4[%dma_start3A_276, %multiple_of3A_230] : memref<64x1000000xf32, #tpu.memory_space<hbm>> -> memref<64x128xf32, #tpu.memory_space<hbm>>
          %dma_start3A_278 = arith.constant 0 : i32
          %dma_start3A_279 = arith.constant 0 : i32
          %dma_start3A_280 = tpu.memref_slice %arg8[%dma_start3A_271, %dma_start3A_278, %dma_start3A_279] : memref<8x64x128xf32, #tpu.memory_space<vmem>> -> memref<1x64x128xf32, #tpu.memory_space<vmem>>
          %dma_start3A_281 = tpu.memref_squeeze %dma_start3A_280 : memref<1x64x128xf32, #tpu.memory_space<vmem>> -> memref<64x128xf32, #tpu.memory_space<vmem>>
          %dma_start3A_282 = arith.constant 0 : i32
          %dma_start3A_283 = tpu.memref_slice %arg4[%dma_start3A_282, %multiple_of3A_230] : memref<64x1000000xf32, #tpu.memory_space<hbm>> -> memref<64x128xf32, #tpu.memory_space<hbm>>
          tpu.enqueue_dma source(%dma_start3A_283 : memref<64x128xf32, #tpu.memory_space<hbm>>) target(%dma_start3A_281 : memref<64x128xf32, #tpu.memory_space<vmem>>) target_semaphore(%arg14 : memref<!tpu.dma_semaphore, #tpu.memory_space<semaphore_mem>>)
        } else {
        }
        %eq3A_246 = arith.constant 3 : i32
        %eq3A_247 = arith.cmpi eq, %select_n3A_227, %eq3A_246 : i32
        %convert_element_type3A_248 = arith.extui %eq3A_247 : i1 to i32
        %cond3A_249 = arith.constant 0 : i32
        %cond3A_250 = arith.cmpi ne, %convert_element_type3A_248, %cond3A_249 : i32
        scf.if %cond3A_250 {
          %dma_start3A_271 = arith.constant 3 : i32
          %dma_start3A_272 = arith.constant 0 : i32
          %dma_start3A_273 = arith.constant 0 : i32
          %dma_start3A_274 = tpu.memref_slice %arg8[%dma_start3A_271, %dma_start3A_272, %dma_start3A_273] : memref<8x64x128xf32, #tpu.memory_space<vmem>> -> memref<1x64x128xf32, #tpu.memory_space<vmem>>
          %dma_start3A_275 = tpu.memref_squeeze %dma_start3A_274 : memref<1x64x128xf32, #tpu.memory_space<vmem>> -> memref<64x128xf32, #tpu.memory_space<vmem>>
          %dma_start3A_276 = arith.constant 0 : i32
          %dma_start3A_277 = tpu.memref_slice %arg4[%dma_start3A_276, %multiple_of3A_230] : memref<64x1000000xf32, #tpu.memory_space<hbm>> -> memref<64x128xf32, #tpu.memory_space<hbm>>
          %dma_start3A_278 = arith.constant 0 : i32
          %dma_start3A_279 = arith.constant 0 : i32
          %dma_start3A_280 = tpu.memref_slice %arg8[%dma_start3A_271, %dma_start3A_278, %dma_start3A_279] : memref<8x64x128xf32, #tpu.memory_space<vmem>> -> memref<1x64x128xf32, #tpu.memory_space<vmem>>
          %dma_start3A_281 = tpu.memref_squeeze %dma_start3A_280 : memref<1x64x128xf32, #tpu.memory_space<vmem>> -> memref<64x128xf32, #tpu.memory_space<vmem>>
          %dma_start3A_282 = arith.constant 0 : i32
          %dma_start3A_283 = tpu.memref_slice %arg4[%dma_start3A_282, %multiple_of3A_230] : memref<64x1000000xf32, #tpu.memory_space<hbm>> -> memref<64x128xf32, #tpu.memory_space<hbm>>
          tpu.enqueue_dma source(%dma_start3A_283 : memref<64x128xf32, #tpu.memory_space<hbm>>) target(%dma_start3A_281 : memref<64x128xf32, #tpu.memory_space<vmem>>) target_semaphore(%arg15 : memref<!tpu.dma_semaphore, #tpu.memory_space<semaphore_mem>>)
        } else {
        }
        %eq3A_251 = arith.constant 4 : i32
        %eq3A_252 = arith.cmpi eq, %select_n3A_227, %eq3A_251 : i32
        %convert_element_type3A_253 = arith.extui %eq3A_252 : i1 to i32
        %cond3A_254 = arith.constant 0 : i32
        %cond3A_255 = arith.cmpi ne, %convert_element_type3A_253, %cond3A_254 : i32
        scf.if %cond3A_255 {
          %dma_start3A_271 = arith.constant 4 : i32
          %dma_start3A_272 = arith.constant 0 : i32
          %dma_start3A_273 = arith.constant 0 : i32
          %dma_start3A_274 = tpu.memref_slice %arg8[%dma_start3A_271, %dma_start3A_272, %dma_start3A_273] : memref<8x64x128xf32, #tpu.memory_space<vmem>> -> memref<1x64x128xf32, #tpu.memory_space<vmem>>
          %dma_start3A_275 = tpu.memref_squeeze %dma_start3A_274 : memref<1x64x128xf32, #tpu.memory_space<vmem>> -> memref<64x128xf32, #tpu.memory_space<vmem>>
          %dma_start3A_276 = arith.constant 0 : i32
          %dma_start3A_277 = tpu.memref_slice %arg4[%dma_start3A_276, %multiple_of3A_230] : memref<64x1000000xf32, #tpu.memory_space<hbm>> -> memref<64x128xf32, #tpu.memory_space<hbm>>
          %dma_start3A_278 = arith.constant 0 : i32
          %dma_start3A_279 = arith.constant 0 : i32
          %dma_start3A_280 = tpu.memref_slice %arg8[%dma_start3A_271, %dma_start3A_278, %dma_start3A_279] : memref<8x64x128xf32, #tpu.memory_space<vmem>> -> memref<1x64x128xf32, #tpu.memory_space<vmem>>
          %dma_start3A_281 = tpu.memref_squeeze %dma_start3A_280 : memref<1x64x128xf32, #tpu.memory_space<vmem>> -> memref<64x128xf32, #tpu.memory_space<vmem>>
          %dma_start3A_282 = arith.constant 0 : i32
          %dma_start3A_283 = tpu.memref_slice %arg4[%dma_start3A_282, %multiple_of3A_230] : memref<64x1000000xf32, #tpu.memory_space<hbm>> -> memref<64x128xf32, #tpu.memory_space<hbm>>
          tpu.enqueue_dma source(%dma_start3A_283 : memref<64x128xf32, #tpu.memory_space<hbm>>) target(%dma_start3A_281 : memref<64x128xf32, #tpu.memory_space<vmem>>) target_semaphore(%arg16 : memref<!tpu.dma_semaphore, #tpu.memory_space<semaphore_mem>>)
        } else {
        }
        %eq3A_256 = arith.constant 5 : i32
        %eq3A_257 = arith.cmpi eq, %select_n3A_227, %eq3A_256 : i32
        %convert_element_type3A_258 = arith.extui %eq3A_257 : i1 to i32
        %cond3A_259 = arith.constant 0 : i32
        %cond3A_260 = arith.cmpi ne, %convert_element_type3A_258, %cond3A_259 : i32
        scf.if %cond3A_260 {
          %dma_start3A_271 = arith.constant 5 : i32
          %dma_start3A_272 = arith.constant 0 : i32
          %dma_start3A_273 = arith.constant 0 : i32
          %dma_start3A_274 = tpu.memref_slice %arg8[%dma_start3A_271, %dma_start3A_272, %dma_start3A_273] : memref<8x64x128xf32, #tpu.memory_space<vmem>> -> memref<1x64x128xf32, #tpu.memory_space<vmem>>
          %dma_start3A_275 = tpu.memref_squeeze %dma_start3A_274 : memref<1x64x128xf32, #tpu.memory_space<vmem>> -> memref<64x128xf32, #tpu.memory_space<vmem>>
          %dma_start3A_276 = arith.constant 0 : i32
          %dma_start3A_277 = tpu.memref_slice %arg4[%dma_start3A_276, %multiple_of3A_230] : memref<64x1000000xf32, #tpu.memory_space<hbm>> -> memref<64x128xf32, #tpu.memory_space<hbm>>
          %dma_start3A_278 = arith.constant 0 : i32
          %dma_start3A_279 = arith.constant 0 : i32
          %dma_start3A_280 = tpu.memref_slice %arg8[%dma_start3A_271, %dma_start3A_278, %dma_start3A_279] : memref<8x64x128xf32, #tpu.memory_space<vmem>> -> memref<1x64x128xf32, #tpu.memory_space<vmem>>
          %dma_start3A_281 = tpu.memref_squeeze %dma_start3A_280 : memref<1x64x128xf32, #tpu.memory_space<vmem>> -> memref<64x128xf32, #tpu.memory_space<vmem>>
          %dma_start3A_282 = arith.constant 0 : i32
          %dma_start3A_283 = tpu.memref_slice %arg4[%dma_start3A_282, %multiple_of3A_230] : memref<64x1000000xf32, #tpu.memory_space<hbm>> -> memref<64x128xf32, #tpu.memory_space<hbm>>
          tpu.enqueue_dma source(%dma_start3A_283 : memref<64x128xf32, #tpu.memory_space<hbm>>) target(%dma_start3A_281 : memref<64x128xf32, #tpu.memory_space<vmem>>) target_semaphore(%arg17 : memref<!tpu.dma_semaphore, #tpu.memory_space<semaphore_mem>>)
        } else {
        }
        %eq3A_261 = arith.constant 6 : i32
        %eq3A_262 = arith.cmpi eq, %select_n3A_227, %eq3A_261 : i32
        %convert_element_type3A_263 = arith.extui %eq3A_262 : i1 to i32
        %cond3A_264 = arith.constant 0 : i32
        %cond3A_265 = arith.cmpi ne, %convert_element_type3A_263, %cond3A_264 : i32
        scf.if %cond3A_265 {
          %dma_start3A_271 = arith.constant 6 : i32
          %dma_start3A_272 = arith.constant 0 : i32
          %dma_start3A_273 = arith.constant 0 : i32
          %dma_start3A_274 = tpu.memref_slice %arg8[%dma_start3A_271, %dma_start3A_272, %dma_start3A_273] : memref<8x64x128xf32, #tpu.memory_space<vmem>> -> memref<1x64x128xf32, #tpu.memory_space<vmem>>
          %dma_start3A_275 = tpu.memref_squeeze %dma_start3A_274 : memref<1x64x128xf32, #tpu.memory_space<vmem>> -> memref<64x128xf32, #tpu.memory_space<vmem>>
          %dma_start3A_276 = arith.constant 0 : i32
          %dma_start3A_277 = tpu.memref_slice %arg4[%dma_start3A_276, %multiple_of3A_230] : memref<64x1000000xf32, #tpu.memory_space<hbm>> -> memref<64x128xf32, #tpu.memory_space<hbm>>
          %dma_start3A_278 = arith.constant 0 : i32
          %dma_start3A_279 = arith.constant 0 : i32
          %dma_start3A_280 = tpu.memref_slice %arg8[%dma_start3A_271, %dma_start3A_278, %dma_start3A_279] : memref<8x64x128xf32, #tpu.memory_space<vmem>> -> memref<1x64x128xf32, #tpu.memory_space<vmem>>
          %dma_start3A_281 = tpu.memref_squeeze %dma_start3A_280 : memref<1x64x128xf32, #tpu.memory_space<vmem>> -> memref<64x128xf32, #tpu.memory_space<vmem>>
          %dma_start3A_282 = arith.constant 0 : i32
          %dma_start3A_283 = tpu.memref_slice %arg4[%dma_start3A_282, %multiple_of3A_230] : memref<64x1000000xf32, #tpu.memory_space<hbm>> -> memref<64x128xf32, #tpu.memory_space<hbm>>
          tpu.enqueue_dma source(%dma_start3A_283 : memref<64x128xf32, #tpu.memory_space<hbm>>) target(%dma_start3A_281 : memref<64x128xf32, #tpu.memory_space<vmem>>) target_semaphore(%arg18 : memref<!tpu.dma_semaphore, #tpu.memory_space<semaphore_mem>>)
        } else {
        }
        %eq3A_266 = arith.constant 7 : i32
        %eq3A_267 = arith.cmpi eq, %select_n3A_227, %eq3A_266 : i32
        %convert_element_type3A_268 = arith.extui %eq3A_267 : i1 to i32
        %cond3A_269 = arith.constant 0 : i32
        %cond3A_270 = arith.cmpi ne, %convert_element_type3A_268, %cond3A_269 : i32
        scf.if %cond3A_270 {
          %dma_start3A_271 = arith.constant 7 : i32
          %dma_start3A_272 = arith.constant 0 : i32
          %dma_start3A_273 = arith.constant 0 : i32
          %dma_start3A_274 = tpu.memref_slice %arg8[%dma_start3A_271, %dma_start3A_272, %dma_start3A_273] : memref<8x64x128xf32, #tpu.memory_space<vmem>> -> memref<1x64x128xf32, #tpu.memory_space<vmem>>
          %dma_start3A_275 = tpu.memref_squeeze %dma_start3A_274 : memref<1x64x128xf32, #tpu.memory_space<vmem>> -> memref<64x128xf32, #tpu.memory_space<vmem>>
          %dma_start3A_276 = arith.constant 0 : i32
          %dma_start3A_277 = tpu.memref_slice %arg4[%dma_start3A_276, %multiple_of3A_230] : memref<64x1000000xf32, #tpu.memory_space<hbm>> -> memref<64x128xf32, #tpu.memory_space<hbm>>
          %dma_start3A_278 = arith.constant 0 : i32
          %dma_start3A_279 = arith.constant 0 : i32
          %dma_start3A_280 = tpu.memref_slice %arg8[%dma_start3A_271, %dma_start3A_278, %dma_start3A_279] : memref<8x64x128xf32, #tpu.memory_space<vmem>> -> memref<1x64x128xf32, #tpu.memory_space<vmem>>
          %dma_start3A_281 = tpu.memref_squeeze %dma_start3A_280 : memref<1x64x128xf32, #tpu.memory_space<vmem>> -> memref<64x128xf32, #tpu.memory_space<vmem>>
          %dma_start3A_282 = arith.constant 0 : i32
          %dma_start3A_283 = tpu.memref_slice %arg4[%dma_start3A_282, %multiple_of3A_230] : memref<64x1000000xf32, #tpu.memory_space<hbm>> -> memref<64x128xf32, #tpu.memory_space<hbm>>
          tpu.enqueue_dma source(%dma_start3A_283 : memref<64x128xf32, #tpu.memory_space<hbm>>) target(%dma_start3A_281 : memref<64x128xf32, #tpu.memory_space<vmem>>) target_semaphore(%arg19 : memref<!tpu.dma_semaphore, #tpu.memory_space<semaphore_mem>>)
        } else {
        }
      } else {
      }
      %not3A = arith.constant true
      %not3A_95 = arith.xori %and3A, %not3A : i1
      %or3A = arith.ori %not3A_95, %lt3A_90 : i1
      %and3A_96 = arith.andi %lt3A_77, %or3A : i1
      %convert_element_type3A_97 = arith.extui %and3A_96 : i1 to i32
      %add3A_98 = arith.addi %scan3A_74, %convert_element_type3A_97 : i32
      %convert_element_type3A_99 = arith.extui %and3A_91 : i1 to i32
      %add3A_100 = arith.addi %scan3A_75, %convert_element_type3A_99 : i32
      %lt3A_101 = arith.constant 512 : i32
      %lt3A_102 = arith.cmpi slt, %add3A_98, %lt3A_101 : i32
      %min3A_103 = arith.constant 511 : i32
      %min3A_104 = arith.minsi %add3A_98, %min3A_103 : i32
      %get3A_105 = arith.index_cast %min3A_104 : i32 to index
      %get3A_106 = memref.load %arg10[%get3A_105] : memref<512xi32, #tpu.memory_space<smem>>
      %sub3A_107 = arith.constant 1 : i32
      %sub3A_108 = arith.subi %add3A_98, %sub3A_107 : i32
      %min3A_109 = arith.constant 511 : i32
      %min3A_110 = arith.minsi %sub3A_108, %min3A_109 : i32
      %get3A_111 = arith.index_cast %min3A_110 : i32 to index
      %get3A_112 = memref.load %arg10[%get3A_111] : memref<512xi32, #tpu.memory_space<smem>>
      %ne3A_113 = arith.cmpi ne, %get3A_106, %get3A_112 : i32
      %and3A_114 = arith.andi %lt3A_102, %ne3A_113 : i1
      %add3A_115 = arith.constant 8 : i32
      %add3A_116 = arith.addi %scan3A_76, %add3A_115 : i32
      %sub3A_117 = arith.constant 1 : i32
      %sub3A_118 = arith.subi %add3A_116, %sub3A_117 : i32
      %lt3A_119 = arith.cmpi slt, %add3A_100, %sub3A_118 : i32
      %and3A_120 = arith.andi %and3A_114, %lt3A_119 : i1
      %convert_element_type3A_121 = arith.extui %and3A_120 : i1 to i32
      %cond3A_122 = arith.constant 0 : i32
      %cond3A_123 = arith.cmpi ne, %convert_element_type3A_121, %cond3A_122 : i32
      scf.if %cond3A_123 {
        %jit3A_212 = arith.constant 8 : i32
        %eq3A_213 = arith.constant 0 : i32
        %eq3A_214 = arith.cmpi eq, %jit3A_212, %eq3A_213 : i32
        %jit3A_215 = arith.constant 1 : i32
        %select_n3A_216 = arith.select %eq3A_214, %jit3A_215, %jit3A_212 : i32
        %rem3A_217 = arith.remsi %add3A_100, %select_n3A_216 : i32
        %ne3A_218 = arith.constant 0 : i32
        %ne3A_219 = arith.cmpi ne, %rem3A_217, %ne3A_218 : i32
        %lt3A_220 = arith.constant 0 : i32
        %lt3A_221 = arith.cmpi slt, %rem3A_217, %lt3A_220 : i32
        %lt3A_222 = arith.constant 0 : i32
        %lt3A_223 = arith.cmpi slt, %select_n3A_216, %lt3A_222 : i32
        %ne3A_224 = arith.xori %lt3A_221, %lt3A_223 : i1
        %and3A_225 = arith.andi %ne3A_224, %ne3A_219 : i1
        %add3A_226 = arith.addi %rem3A_217, %select_n3A_216 : i32
        %select_n3A_227 = arith.select %and3A_225, %add3A_226, %rem3A_217 : i32
        %mul3A_228 = arith.constant 128 : i32
        %mul3A_229 = arith.muli %get3A_106, %mul3A_228 : i32
        %multiple_of3A_230 = tpu.assume_multiple %mul3A_229, 128 : i32
        %eq3A_231 = arith.constant 0 : i32
        %eq3A_232 = arith.cmpi eq, %select_n3A_227, %eq3A_231 : i32
        %convert_element_type3A_233 = arith.extui %eq3A_232 : i1 to i32
        %cond3A_234 = arith.constant 0 : i32
        %cond3A_235 = arith.cmpi ne, %convert_element_type3A_233, %cond3A_234 : i32
        scf.if %cond3A_235 {
          %dma_start3A_271 = arith.constant 0 : i32
          %dma_start3A_272 = arith.constant 0 : i32
          %dma_start3A_273 = arith.constant 0 : i32
          %dma_start3A_274 = tpu.memref_slice %arg8[%dma_start3A_271, %dma_start3A_272, %dma_start3A_273] : memref<8x64x128xf32, #tpu.memory_space<vmem>> -> memref<1x64x128xf32, #tpu.memory_space<vmem>>
          %dma_start3A_275 = tpu.memref_squeeze %dma_start3A_274 : memref<1x64x128xf32, #tpu.memory_space<vmem>> -> memref<64x128xf32, #tpu.memory_space<vmem>>
          %dma_start3A_276 = arith.constant 0 : i32
          %dma_start3A_277 = tpu.memref_slice %arg4[%dma_start3A_276, %multiple_of3A_230] : memref<64x1000000xf32, #tpu.memory_space<hbm>> -> memref<64x128xf32, #tpu.memory_space<hbm>>
          %dma_start3A_278 = arith.constant 0 : i32
          %dma_start3A_279 = arith.constant 0 : i32
          %dma_start3A_280 = tpu.memref_slice %arg8[%dma_start3A_271, %dma_start3A_278, %dma_start3A_279] : memref<8x64x128xf32, #tpu.memory_space<vmem>> -> memref<1x64x128xf32, #tpu.memory_space<vmem>>
          %dma_start3A_281 = tpu.memref_squeeze %dma_start3A_280 : memref<1x64x128xf32, #tpu.memory_space<vmem>> -> memref<64x128xf32, #tpu.memory_space<vmem>>
          %dma_start3A_282 = arith.constant 0 : i32
          %dma_start3A_283 = tpu.memref_slice %arg4[%dma_start3A_282, %multiple_of3A_230] : memref<64x1000000xf32, #tpu.memory_space<hbm>> -> memref<64x128xf32, #tpu.memory_space<hbm>>
          tpu.enqueue_dma source(%dma_start3A_283 : memref<64x128xf32, #tpu.memory_space<hbm>>) target(%dma_start3A_281 : memref<64x128xf32, #tpu.memory_space<vmem>>) target_semaphore(%arg12 : memref<!tpu.dma_semaphore, #tpu.memory_space<semaphore_mem>>)
        } else {
        }
        %eq3A_236 = arith.constant 1 : i32
        %eq3A_237 = arith.cmpi eq, %select_n3A_227, %eq3A_236 : i32
        %convert_element_type3A_238 = arith.extui %eq3A_237 : i1 to i32
        %cond3A_239 = arith.constant 0 : i32
        %cond3A_240 = arith.cmpi ne, %convert_element_type3A_238, %cond3A_239 : i32
        scf.if %cond3A_240 {
          %dma_start3A_271 = arith.constant 1 : i32
          %dma_start3A_272 = arith.constant 0 : i32
          %dma_start3A_273 = arith.constant 0 : i32
          %dma_start3A_274 = tpu.memref_slice %arg8[%dma_start3A_271, %dma_start3A_272, %dma_start3A_273] : memref<8x64x128xf32, #tpu.memory_space<vmem>> -> memref<1x64x128xf32, #tpu.memory_space<vmem>>
          %dma_start3A_275 = tpu.memref_squeeze %dma_start3A_274 : memref<1x64x128xf32, #tpu.memory_space<vmem>> -> memref<64x128xf32, #tpu.memory_space<vmem>>
          %dma_start3A_276 = arith.constant 0 : i32
          %dma_start3A_277 = tpu.memref_slice %arg4[%dma_start3A_276, %multiple_of3A_230] : memref<64x1000000xf32, #tpu.memory_space<hbm>> -> memref<64x128xf32, #tpu.memory_space<hbm>>
          %dma_start3A_278 = arith.constant 0 : i32
          %dma_start3A_279 = arith.constant 0 : i32
          %dma_start3A_280 = tpu.memref_slice %arg8[%dma_start3A_271, %dma_start3A_278, %dma_start3A_279] : memref<8x64x128xf32, #tpu.memory_space<vmem>> -> memref<1x64x128xf32, #tpu.memory_space<vmem>>
          %dma_start3A_281 = tpu.memref_squeeze %dma_start3A_280 : memref<1x64x128xf32, #tpu.memory_space<vmem>> -> memref<64x128xf32, #tpu.memory_space<vmem>>
          %dma_start3A_282 = arith.constant 0 : i32
          %dma_start3A_283 = tpu.memref_slice %arg4[%dma_start3A_282, %multiple_of3A_230] : memref<64x1000000xf32, #tpu.memory_space<hbm>> -> memref<64x128xf32, #tpu.memory_space<hbm>>
          tpu.enqueue_dma source(%dma_start3A_283 : memref<64x128xf32, #tpu.memory_space<hbm>>) target(%dma_start3A_281 : memref<64x128xf32, #tpu.memory_space<vmem>>) target_semaphore(%arg13 : memref<!tpu.dma_semaphore, #tpu.memory_space<semaphore_mem>>)
        } else {
        }
        %eq3A_241 = arith.constant 2 : i32
        %eq3A_242 = arith.cmpi eq, %select_n3A_227, %eq3A_241 : i32
        %convert_element_type3A_243 = arith.extui %eq3A_242 : i1 to i32
        %cond3A_244 = arith.constant 0 : i32
        %cond3A_245 = arith.cmpi ne, %convert_element_type3A_243, %cond3A_244 : i32
        scf.if %cond3A_245 {
          %dma_start3A_271 = arith.constant 2 : i32
          %dma_start3A_272 = arith.constant 0 : i32
          %dma_start3A_273 = arith.constant 0 : i32
          %dma_start3A_274 = tpu.memref_slice %arg8[%dma_start3A_271, %dma_start3A_272, %dma_start3A_273] : memref<8x64x128xf32, #tpu.memory_space<vmem>> -> memref<1x64x128xf32, #tpu.memory_space<vmem>>
          %dma_start3A_275 = tpu.memref_squeeze %dma_start3A_274 : memref<1x64x128xf32, #tpu.memory_space<vmem>> -> memref<64x128xf32, #tpu.memory_space<vmem>>
          %dma_start3A_276 = arith.constant 0 : i32
          %dma_start3A_277 = tpu.memref_slice %arg4[%dma_start3A_276, %multiple_of3A_230] : memref<64x1000000xf32, #tpu.memory_space<hbm>> -> memref<64x128xf32, #tpu.memory_space<hbm>>
          %dma_start3A_278 = arith.constant 0 : i32
          %dma_start3A_279 = arith.constant 0 : i32
          %dma_start3A_280 = tpu.memref_slice %arg8[%dma_start3A_271, %dma_start3A_278, %dma_start3A_279] : memref<8x64x128xf32, #tpu.memory_space<vmem>> -> memref<1x64x128xf32, #tpu.memory_space<vmem>>
          %dma_start3A_281 = tpu.memref_squeeze %dma_start3A_280 : memref<1x64x128xf32, #tpu.memory_space<vmem>> -> memref<64x128xf32, #tpu.memory_space<vmem>>
          %dma_start3A_282 = arith.constant 0 : i32
          %dma_start3A_283 = tpu.memref_slice %arg4[%dma_start3A_282, %multiple_of3A_230] : memref<64x1000000xf32, #tpu.memory_space<hbm>> -> memref<64x128xf32, #tpu.memory_space<hbm>>
          tpu.enqueue_dma source(%dma_start3A_283 : memref<64x128xf32, #tpu.memory_space<hbm>>) target(%dma_start3A_281 : memref<64x128xf32, #tpu.memory_space<vmem>>) target_semaphore(%arg14 : memref<!tpu.dma_semaphore, #tpu.memory_space<semaphore_mem>>)
        } else {
        }
        %eq3A_246 = arith.constant 3 : i32
        %eq3A_247 = arith.cmpi eq, %select_n3A_227, %eq3A_246 : i32
        %convert_element_type3A_248 = arith.extui %eq3A_247 : i1 to i32
        %cond3A_249 = arith.constant 0 : i32
        %cond3A_250 = arith.cmpi ne, %convert_element_type3A_248, %cond3A_249 : i32
        scf.if %cond3A_250 {
          %dma_start3A_271 = arith.constant 3 : i32
          %dma_start3A_272 = arith.constant 0 : i32
          %dma_start3A_273 = arith.constant 0 : i32
          %dma_start3A_274 = tpu.memref_slice %arg8[%dma_start3A_271, %dma_start3A_272, %dma_start3A_273] : memref<8x64x128xf32, #tpu.memory_space<vmem>> -> memref<1x64x128xf32, #tpu.memory_space<vmem>>
          %dma_start3A_275 = tpu.memref_squeeze %dma_start3A_274 : memref<1x64x128xf32, #tpu.memory_space<vmem>> -> memref<64x128xf32, #tpu.memory_space<vmem>>
          %dma_start3A_276 = arith.constant 0 : i32
          %dma_start3A_277 = tpu.memref_slice %arg4[%dma_start3A_276, %multiple_of3A_230] : memref<64x1000000xf32, #tpu.memory_space<hbm>> -> memref<64x128xf32, #tpu.memory_space<hbm>>
          %dma_start3A_278 = arith.constant 0 : i32
          %dma_start3A_279 = arith.constant 0 : i32
          %dma_start3A_280 = tpu.memref_slice %arg8[%dma_start3A_271, %dma_start3A_278, %dma_start3A_279] : memref<8x64x128xf32, #tpu.memory_space<vmem>> -> memref<1x64x128xf32, #tpu.memory_space<vmem>>
          %dma_start3A_281 = tpu.memref_squeeze %dma_start3A_280 : memref<1x64x128xf32, #tpu.memory_space<vmem>> -> memref<64x128xf32, #tpu.memory_space<vmem>>
          %dma_start3A_282 = arith.constant 0 : i32
          %dma_start3A_283 = tpu.memref_slice %arg4[%dma_start3A_282, %multiple_of3A_230] : memref<64x1000000xf32, #tpu.memory_space<hbm>> -> memref<64x128xf32, #tpu.memory_space<hbm>>
          tpu.enqueue_dma source(%dma_start3A_283 : memref<64x128xf32, #tpu.memory_space<hbm>>) target(%dma_start3A_281 : memref<64x128xf32, #tpu.memory_space<vmem>>) target_semaphore(%arg15 : memref<!tpu.dma_semaphore, #tpu.memory_space<semaphore_mem>>)
        } else {
        }
        %eq3A_251 = arith.constant 4 : i32
        %eq3A_252 = arith.cmpi eq, %select_n3A_227, %eq3A_251 : i32
        %convert_element_type3A_253 = arith.extui %eq3A_252 : i1 to i32
        %cond3A_254 = arith.constant 0 : i32
        %cond3A_255 = arith.cmpi ne, %convert_element_type3A_253, %cond3A_254 : i32
        scf.if %cond3A_255 {
          %dma_start3A_271 = arith.constant 4 : i32
          %dma_start3A_272 = arith.constant 0 : i32
          %dma_start3A_273 = arith.constant 0 : i32
          %dma_start3A_274 = tpu.memref_slice %arg8[%dma_start3A_271, %dma_start3A_272, %dma_start3A_273] : memref<8x64x128xf32, #tpu.memory_space<vmem>> -> memref<1x64x128xf32, #tpu.memory_space<vmem>>
          %dma_start3A_275 = tpu.memref_squeeze %dma_start3A_274 : memref<1x64x128xf32, #tpu.memory_space<vmem>> -> memref<64x128xf32, #tpu.memory_space<vmem>>
          %dma_start3A_276 = arith.constant 0 : i32
          %dma_start3A_277 = tpu.memref_slice %arg4[%dma_start3A_276, %multiple_of3A_230] : memref<64x1000000xf32, #tpu.memory_space<hbm>> -> memref<64x128xf32, #tpu.memory_space<hbm>>
          %dma_start3A_278 = arith.constant 0 : i32
          %dma_start3A_279 = arith.constant 0 : i32
          %dma_start3A_280 = tpu.memref_slice %arg8[%dma_start3A_271, %dma_start3A_278, %dma_start3A_279] : memref<8x64x128xf32, #tpu.memory_space<vmem>> -> memref<1x64x128xf32, #tpu.memory_space<vmem>>
          %dma_start3A_281 = tpu.memref_squeeze %dma_start3A_280 : memref<1x64x128xf32, #tpu.memory_space<vmem>> -> memref<64x128xf32, #tpu.memory_space<vmem>>
          %dma_start3A_282 = arith.constant 0 : i32
          %dma_start3A_283 = tpu.memref_slice %arg4[%dma_start3A_282, %multiple_of3A_230] : memref<64x1000000xf32, #tpu.memory_space<hbm>> -> memref<64x128xf32, #tpu.memory_space<hbm>>
          tpu.enqueue_dma source(%dma_start3A_283 : memref<64x128xf32, #tpu.memory_space<hbm>>) target(%dma_start3A_281 : memref<64x128xf32, #tpu.memory_space<vmem>>) target_semaphore(%arg16 : memref<!tpu.dma_semaphore, #tpu.memory_space<semaphore_mem>>)
        } else {
        }
        %eq3A_256 = arith.constant 5 : i32
        %eq3A_257 = arith.cmpi eq, %select_n3A_227, %eq3A_256 : i32
        %convert_element_type3A_258 = arith.extui %eq3A_257 : i1 to i32
        %cond3A_259 = arith.constant 0 : i32
        %cond3A_260 = arith.cmpi ne, %convert_element_type3A_258, %cond3A_259 : i32
        scf.if %cond3A_260 {
          %dma_start3A_271 = arith.constant 5 : i32
          %dma_start3A_272 = arith.constant 0 : i32
          %dma_start3A_273 = arith.constant 0 : i32
          %dma_start3A_274 = tpu.memref_slice %arg8[%dma_start3A_271, %dma_start3A_272, %dma_start3A_273] : memref<8x64x128xf32, #tpu.memory_space<vmem>> -> memref<1x64x128xf32, #tpu.memory_space<vmem>>
          %dma_start3A_275 = tpu.memref_squeeze %dma_start3A_274 : memref<1x64x128xf32, #tpu.memory_space<vmem>> -> memref<64x128xf32, #tpu.memory_space<vmem>>
          %dma_start3A_276 = arith.constant 0 : i32
          %dma_start3A_277 = tpu.memref_slice %arg4[%dma_start3A_276, %multiple_of3A_230] : memref<64x1000000xf32, #tpu.memory_space<hbm>> -> memref<64x128xf32, #tpu.memory_space<hbm>>
          %dma_start3A_278 = arith.constant 0 : i32
          %dma_start3A_279 = arith.constant 0 : i32
          %dma_start3A_280 = tpu.memref_slice %arg8[%dma_start3A_271, %dma_start3A_278, %dma_start3A_279] : memref<8x64x128xf32, #tpu.memory_space<vmem>> -> memref<1x64x128xf32, #tpu.memory_space<vmem>>
          %dma_start3A_281 = tpu.memref_squeeze %dma_start3A_280 : memref<1x64x128xf32, #tpu.memory_space<vmem>> -> memref<64x128xf32, #tpu.memory_space<vmem>>
          %dma_start3A_282 = arith.constant 0 : i32
          %dma_start3A_283 = tpu.memref_slice %arg4[%dma_start3A_282, %multiple_of3A_230] : memref<64x1000000xf32, #tpu.memory_space<hbm>> -> memref<64x128xf32, #tpu.memory_space<hbm>>
          tpu.enqueue_dma source(%dma_start3A_283 : memref<64x128xf32, #tpu.memory_space<hbm>>) target(%dma_start3A_281 : memref<64x128xf32, #tpu.memory_space<vmem>>) target_semaphore(%arg17 : memref<!tpu.dma_semaphore, #tpu.memory_space<semaphore_mem>>)
        } else {
        }
        %eq3A_261 = arith.constant 6 : i32
        %eq3A_262 = arith.cmpi eq, %select_n3A_227, %eq3A_261 : i32
        %convert_element_type3A_263 = arith.extui %eq3A_262 : i1 to i32
        %cond3A_264 = arith.constant 0 : i32
        %cond3A_265 = arith.cmpi ne, %convert_element_type3A_263, %cond3A_264 : i32
        scf.if %cond3A_265 {
          %dma_start3A_271 = arith.constant 6 : i32
          %dma_start3A_272 = arith.constant 0 : i32
          %dma_start3A_273 = arith.constant 0 : i32
          %dma_start3A_274 = tpu.memref_slice %arg8[%dma_start3A_271, %dma_start3A_272, %dma_start3A_273] : memref<8x64x128xf32, #tpu.memory_space<vmem>> -> memref<1x64x128xf32, #tpu.memory_space<vmem>>
          %dma_start3A_275 = tpu.memref_squeeze %dma_start3A_274 : memref<1x64x128xf32, #tpu.memory_space<vmem>> -> memref<64x128xf32, #tpu.memory_space<vmem>>
          %dma_start3A_276 = arith.constant 0 : i32
          %dma_start3A_277 = tpu.memref_slice %arg4[%dma_start3A_276, %multiple_of3A_230] : memref<64x1000000xf32, #tpu.memory_space<hbm>> -> memref<64x128xf32, #tpu.memory_space<hbm>>
          %dma_start3A_278 = arith.constant 0 : i32
          %dma_start3A_279 = arith.constant 0 : i32
          %dma_start3A_280 = tpu.memref_slice %arg8[%dma_start3A_271, %dma_start3A_278, %dma_start3A_279] : memref<8x64x128xf32, #tpu.memory_space<vmem>> -> memref<1x64x128xf32, #tpu.memory_space<vmem>>
          %dma_start3A_281 = tpu.memref_squeeze %dma_start3A_280 : memref<1x64x128xf32, #tpu.memory_space<vmem>> -> memref<64x128xf32, #tpu.memory_space<vmem>>
          %dma_start3A_282 = arith.constant 0 : i32
          %dma_start3A_283 = tpu.memref_slice %arg4[%dma_start3A_282, %multiple_of3A_230] : memref<64x1000000xf32, #tpu.memory_space<hbm>> -> memref<64x128xf32, #tpu.memory_space<hbm>>
          tpu.enqueue_dma source(%dma_start3A_283 : memref<64x128xf32, #tpu.memory_space<hbm>>) target(%dma_start3A_281 : memref<64x128xf32, #tpu.memory_space<vmem>>) target_semaphore(%arg18 : memref<!tpu.dma_semaphore, #tpu.memory_space<semaphore_mem>>)
        } else {
        }
        %eq3A_266 = arith.constant 7 : i32
        %eq3A_267 = arith.cmpi eq, %select_n3A_227, %eq3A_266 : i32
        %convert_element_type3A_268 = arith.extui %eq3A_267 : i1 to i32
        %cond3A_269 = arith.constant 0 : i32
        %cond3A_270 = arith.cmpi ne, %convert_element_type3A_268, %cond3A_269 : i32
        scf.if %cond3A_270 {
          %dma_start3A_271 = arith.constant 7 : i32
          %dma_start3A_272 = arith.constant 0 : i32
          %dma_start3A_273 = arith.constant 0 : i32
          %dma_start3A_274 = tpu.memref_slice %arg8[%dma_start3A_271, %dma_start3A_272, %dma_start3A_273] : memref<8x64x128xf32, #tpu.memory_space<vmem>> -> memref<1x64x128xf32, #tpu.memory_space<vmem>>
          %dma_start3A_275 = tpu.memref_squeeze %dma_start3A_274 : memref<1x64x128xf32, #tpu.memory_space<vmem>> -> memref<64x128xf32, #tpu.memory_space<vmem>>
          %dma_start3A_276 = arith.constant 0 : i32
          %dma_start3A_277 = tpu.memref_slice %arg4[%dma_start3A_276, %multiple_of3A_230] : memref<64x1000000xf32, #tpu.memory_space<hbm>> -> memref<64x128xf32, #tpu.memory_space<hbm>>
          %dma_start3A_278 = arith.constant 0 : i32
          %dma_start3A_279 = arith.constant 0 : i32
          %dma_start3A_280 = tpu.memref_slice %arg8[%dma_start3A_271, %dma_start3A_278, %dma_start3A_279] : memref<8x64x128xf32, #tpu.memory_space<vmem>> -> memref<1x64x128xf32, #tpu.memory_space<vmem>>
          %dma_start3A_281 = tpu.memref_squeeze %dma_start3A_280 : memref<1x64x128xf32, #tpu.memory_space<vmem>> -> memref<64x128xf32, #tpu.memory_space<vmem>>
          %dma_start3A_282 = arith.constant 0 : i32
          %dma_start3A_283 = tpu.memref_slice %arg4[%dma_start3A_282, %multiple_of3A_230] : memref<64x1000000xf32, #tpu.memory_space<hbm>> -> memref<64x128xf32, #tpu.memory_space<hbm>>
          tpu.enqueue_dma source(%dma_start3A_283 : memref<64x128xf32, #tpu.memory_space<hbm>>) target(%dma_start3A_281 : memref<64x128xf32, #tpu.memory_space<vmem>>) target_semaphore(%arg19 : memref<!tpu.dma_semaphore, #tpu.memory_space<semaphore_mem>>)
        } else {
        }
      } else {
      }
      %not3A_124 = arith.constant true
      %not3A_125 = arith.xori %and3A_114, %not3A_124 : i1
      %or3A_126 = arith.ori %not3A_125, %lt3A_119 : i1
      %and3A_127 = arith.andi %lt3A_102, %or3A_126 : i1
      %convert_element_type3A_128 = arith.extui %and3A_127 : i1 to i32
      %add3A_129 = arith.addi %add3A_98, %convert_element_type3A_128 : i32
      %convert_element_type3A_130 = arith.extui %and3A_120 : i1 to i32
      %add3A_131 = arith.addi %add3A_100, %convert_element_type3A_130 : i32
      %get3A_132 = arith.index_cast %scan3A_73 : i32 to index
      %get3A_133 = memref.load %arg10[%get3A_132] : memref<512xi32, #tpu.memory_space<smem>>
      %sub3A_134 = arith.constant 1 : i32
      %sub3A_135 = arith.subi %scan3A_73, %sub3A_134 : i32
      %max3A = arith.constant 0 : i32
      %max3A_136 = arith.maxsi %sub3A_135, %max3A : i32
      %get3A_137 = arith.index_cast %max3A_136 : i32 to index
      %get3A_138 = memref.load %arg10[%get3A_137] : memref<512xi32, #tpu.memory_space<smem>>
      %eq3A_139 = arith.constant 0 : i32
      %eq3A_140 = arith.cmpi eq, %scan3A_73, %eq3A_139 : i32
      %ne3A_141 = arith.cmpi ne, %get3A_133, %get3A_138 : i32
      %or3A_142 = arith.ori %eq3A_140, %ne3A_141 : i1
      %convert_element_type3A_143 = arith.extui %or3A_142 : i1 to i32
      %cond3A_144 = arith.constant 0 : i32
      %cond3A_145 = arith.cmpi ne, %convert_element_type3A_143, %cond3A_144 : i32
      scf.if %cond3A_145 {
        %jit3A_212 = arith.constant 8 : i32
        %eq3A_213 = arith.constant 0 : i32
        %eq3A_214 = arith.cmpi eq, %jit3A_212, %eq3A_213 : i32
        %jit3A_215 = arith.constant 1 : i32
        %select_n3A_216 = arith.select %eq3A_214, %jit3A_215, %jit3A_212 : i32
        %rem3A_217 = arith.remsi %scan3A_76, %select_n3A_216 : i32
        %ne3A_218 = arith.constant 0 : i32
        %ne3A_219 = arith.cmpi ne, %rem3A_217, %ne3A_218 : i32
        %lt3A_220 = arith.constant 0 : i32
        %lt3A_221 = arith.cmpi slt, %rem3A_217, %lt3A_220 : i32
        %lt3A_222 = arith.constant 0 : i32
        %lt3A_223 = arith.cmpi slt, %select_n3A_216, %lt3A_222 : i32
        %ne3A_224 = arith.xori %lt3A_221, %lt3A_223 : i1
        %and3A_225 = arith.andi %ne3A_224, %ne3A_219 : i1
        %add3A_226 = arith.addi %rem3A_217, %select_n3A_216 : i32
        %select_n3A_227 = arith.select %and3A_225, %add3A_226, %rem3A_217 : i32
        %eq3A_228 = arith.constant 0 : i32
        %eq3A_229 = arith.cmpi eq, %select_n3A_227, %eq3A_228 : i32
        %convert_element_type3A_230 = arith.extui %eq3A_229 : i1 to i32
        %cond3A_231 = arith.constant 0 : i32
        %cond3A_232 = arith.cmpi ne, %convert_element_type3A_230, %cond3A_231 : i32
        scf.if %cond3A_232 {
          %dma_wait3A = arith.constant 0 : i32
          %dma_wait3A_268 = arith.constant 0 : i32
          %dma_wait3A_269 = arith.constant 0 : i32
          %dma_wait3A_270 = tpu.memref_slice %arg8[%dma_wait3A, %dma_wait3A_268, %dma_wait3A_269] : memref<8x64x128xf32, #tpu.memory_space<vmem>> -> memref<1x64x128xf32, #tpu.memory_space<vmem>>
          %dma_wait3A_271 = tpu.memref_squeeze %dma_wait3A_270 : memref<1x64x128xf32, #tpu.memory_space<vmem>> -> memref<64x128xf32, #tpu.memory_space<vmem>>
          %dma_wait3A_272 = arith.constant 0 : i32
          %dma_wait3A_273 = arith.constant 0 : i32
          %dma_wait3A_274 = tpu.memref_slice %arg4[%dma_wait3A_272, %dma_wait3A_273] : memref<64x1000000xf32, #tpu.memory_space<hbm>> -> memref<64x128xf32, #tpu.memory_space<hbm>>
          %dma_wait3A_275 = arith.constant 0 : i32
          %dma_wait3A_276 = arith.constant 0 : i32
          %dma_wait3A_277 = tpu.memref_slice %arg8[%dma_wait3A, %dma_wait3A_275, %dma_wait3A_276] : memref<8x64x128xf32, #tpu.memory_space<vmem>> -> memref<1x64x128xf32, #tpu.memory_space<vmem>>
          %dma_wait3A_278 = tpu.memref_squeeze %dma_wait3A_277 : memref<1x64x128xf32, #tpu.memory_space<vmem>> -> memref<64x128xf32, #tpu.memory_space<vmem>>
          %dma_wait3A_279 = arith.constant 0 : i32
          %dma_wait3A_280 = arith.constant 0 : i32
          %dma_wait3A_281 = tpu.memref_slice %arg4[%dma_wait3A_279, %dma_wait3A_280] : memref<64x1000000xf32, #tpu.memory_space<hbm>> -> memref<64x128xf32, #tpu.memory_space<hbm>>
          tpu.wait_dma2 semaphore(%arg12 : memref<!tpu.dma_semaphore, #tpu.memory_space<semaphore_mem>>) src(%dma_wait3A_281 : memref<64x128xf32, #tpu.memory_space<hbm>>) dst(%dma_wait3A_278 : memref<64x128xf32, #tpu.memory_space<vmem>>)
        } else {
        }
        %eq3A_233 = arith.constant 1 : i32
        %eq3A_234 = arith.cmpi eq, %select_n3A_227, %eq3A_233 : i32
        %convert_element_type3A_235 = arith.extui %eq3A_234 : i1 to i32
        %cond3A_236 = arith.constant 0 : i32
        %cond3A_237 = arith.cmpi ne, %convert_element_type3A_235, %cond3A_236 : i32
        scf.if %cond3A_237 {
          %dma_wait3A = arith.constant 1 : i32
          %dma_wait3A_268 = arith.constant 0 : i32
          %dma_wait3A_269 = arith.constant 0 : i32
          %dma_wait3A_270 = tpu.memref_slice %arg8[%dma_wait3A, %dma_wait3A_268, %dma_wait3A_269] : memref<8x64x128xf32, #tpu.memory_space<vmem>> -> memref<1x64x128xf32, #tpu.memory_space<vmem>>
          %dma_wait3A_271 = tpu.memref_squeeze %dma_wait3A_270 : memref<1x64x128xf32, #tpu.memory_space<vmem>> -> memref<64x128xf32, #tpu.memory_space<vmem>>
          %dma_wait3A_272 = arith.constant 0 : i32
          %dma_wait3A_273 = arith.constant 0 : i32
          %dma_wait3A_274 = tpu.memref_slice %arg4[%dma_wait3A_272, %dma_wait3A_273] : memref<64x1000000xf32, #tpu.memory_space<hbm>> -> memref<64x128xf32, #tpu.memory_space<hbm>>
          %dma_wait3A_275 = arith.constant 0 : i32
          %dma_wait3A_276 = arith.constant 0 : i32
          %dma_wait3A_277 = tpu.memref_slice %arg8[%dma_wait3A, %dma_wait3A_275, %dma_wait3A_276] : memref<8x64x128xf32, #tpu.memory_space<vmem>> -> memref<1x64x128xf32, #tpu.memory_space<vmem>>
          %dma_wait3A_278 = tpu.memref_squeeze %dma_wait3A_277 : memref<1x64x128xf32, #tpu.memory_space<vmem>> -> memref<64x128xf32, #tpu.memory_space<vmem>>
          %dma_wait3A_279 = arith.constant 0 : i32
          %dma_wait3A_280 = arith.constant 0 : i32
          %dma_wait3A_281 = tpu.memref_slice %arg4[%dma_wait3A_279, %dma_wait3A_280] : memref<64x1000000xf32, #tpu.memory_space<hbm>> -> memref<64x128xf32, #tpu.memory_space<hbm>>
          tpu.wait_dma2 semaphore(%arg13 : memref<!tpu.dma_semaphore, #tpu.memory_space<semaphore_mem>>) src(%dma_wait3A_281 : memref<64x128xf32, #tpu.memory_space<hbm>>) dst(%dma_wait3A_278 : memref<64x128xf32, #tpu.memory_space<vmem>>)
        } else {
        }
        %eq3A_238 = arith.constant 2 : i32
        %eq3A_239 = arith.cmpi eq, %select_n3A_227, %eq3A_238 : i32
        %convert_element_type3A_240 = arith.extui %eq3A_239 : i1 to i32
        %cond3A_241 = arith.constant 0 : i32
        %cond3A_242 = arith.cmpi ne, %convert_element_type3A_240, %cond3A_241 : i32
        scf.if %cond3A_242 {
          %dma_wait3A = arith.constant 2 : i32
          %dma_wait3A_268 = arith.constant 0 : i32
          %dma_wait3A_269 = arith.constant 0 : i32
          %dma_wait3A_270 = tpu.memref_slice %arg8[%dma_wait3A, %dma_wait3A_268, %dma_wait3A_269] : memref<8x64x128xf32, #tpu.memory_space<vmem>> -> memref<1x64x128xf32, #tpu.memory_space<vmem>>
          %dma_wait3A_271 = tpu.memref_squeeze %dma_wait3A_270 : memref<1x64x128xf32, #tpu.memory_space<vmem>> -> memref<64x128xf32, #tpu.memory_space<vmem>>
          %dma_wait3A_272 = arith.constant 0 : i32
          %dma_wait3A_273 = arith.constant 0 : i32
          %dma_wait3A_274 = tpu.memref_slice %arg4[%dma_wait3A_272, %dma_wait3A_273] : memref<64x1000000xf32, #tpu.memory_space<hbm>> -> memref<64x128xf32, #tpu.memory_space<hbm>>
          %dma_wait3A_275 = arith.constant 0 : i32
          %dma_wait3A_276 = arith.constant 0 : i32
          %dma_wait3A_277 = tpu.memref_slice %arg8[%dma_wait3A, %dma_wait3A_275, %dma_wait3A_276] : memref<8x64x128xf32, #tpu.memory_space<vmem>> -> memref<1x64x128xf32, #tpu.memory_space<vmem>>
          %dma_wait3A_278 = tpu.memref_squeeze %dma_wait3A_277 : memref<1x64x128xf32, #tpu.memory_space<vmem>> -> memref<64x128xf32, #tpu.memory_space<vmem>>
          %dma_wait3A_279 = arith.constant 0 : i32
          %dma_wait3A_280 = arith.constant 0 : i32
          %dma_wait3A_281 = tpu.memref_slice %arg4[%dma_wait3A_279, %dma_wait3A_280] : memref<64x1000000xf32, #tpu.memory_space<hbm>> -> memref<64x128xf32, #tpu.memory_space<hbm>>
          tpu.wait_dma2 semaphore(%arg14 : memref<!tpu.dma_semaphore, #tpu.memory_space<semaphore_mem>>) src(%dma_wait3A_281 : memref<64x128xf32, #tpu.memory_space<hbm>>) dst(%dma_wait3A_278 : memref<64x128xf32, #tpu.memory_space<vmem>>)
        } else {
        }
        %eq3A_243 = arith.constant 3 : i32
        %eq3A_244 = arith.cmpi eq, %select_n3A_227, %eq3A_243 : i32
        %convert_element_type3A_245 = arith.extui %eq3A_244 : i1 to i32
        %cond3A_246 = arith.constant 0 : i32
        %cond3A_247 = arith.cmpi ne, %convert_element_type3A_245, %cond3A_246 : i32
        scf.if %cond3A_247 {
          %dma_wait3A = arith.constant 3 : i32
          %dma_wait3A_268 = arith.constant 0 : i32
          %dma_wait3A_269 = arith.constant 0 : i32
          %dma_wait3A_270 = tpu.memref_slice %arg8[%dma_wait3A, %dma_wait3A_268, %dma_wait3A_269] : memref<8x64x128xf32, #tpu.memory_space<vmem>> -> memref<1x64x128xf32, #tpu.memory_space<vmem>>
          %dma_wait3A_271 = tpu.memref_squeeze %dma_wait3A_270 : memref<1x64x128xf32, #tpu.memory_space<vmem>> -> memref<64x128xf32, #tpu.memory_space<vmem>>
          %dma_wait3A_272 = arith.constant 0 : i32
          %dma_wait3A_273 = arith.constant 0 : i32
          %dma_wait3A_274 = tpu.memref_slice %arg4[%dma_wait3A_272, %dma_wait3A_273] : memref<64x1000000xf32, #tpu.memory_space<hbm>> -> memref<64x128xf32, #tpu.memory_space<hbm>>
          %dma_wait3A_275 = arith.constant 0 : i32
          %dma_wait3A_276 = arith.constant 0 : i32
          %dma_wait3A_277 = tpu.memref_slice %arg8[%dma_wait3A, %dma_wait3A_275, %dma_wait3A_276] : memref<8x64x128xf32, #tpu.memory_space<vmem>> -> memref<1x64x128xf32, #tpu.memory_space<vmem>>
          %dma_wait3A_278 = tpu.memref_squeeze %dma_wait3A_277 : memref<1x64x128xf32, #tpu.memory_space<vmem>> -> memref<64x128xf32, #tpu.memory_space<vmem>>
          %dma_wait3A_279 = arith.constant 0 : i32
          %dma_wait3A_280 = arith.constant 0 : i32
          %dma_wait3A_281 = tpu.memref_slice %arg4[%dma_wait3A_279, %dma_wait3A_280] : memref<64x1000000xf32, #tpu.memory_space<hbm>> -> memref<64x128xf32, #tpu.memory_space<hbm>>
          tpu.wait_dma2 semaphore(%arg15 : memref<!tpu.dma_semaphore, #tpu.memory_space<semaphore_mem>>) src(%dma_wait3A_281 : memref<64x128xf32, #tpu.memory_space<hbm>>) dst(%dma_wait3A_278 : memref<64x128xf32, #tpu.memory_space<vmem>>)
        } else {
        }
        %eq3A_248 = arith.constant 4 : i32
        %eq3A_249 = arith.cmpi eq, %select_n3A_227, %eq3A_248 : i32
        %convert_element_type3A_250 = arith.extui %eq3A_249 : i1 to i32
        %cond3A_251 = arith.constant 0 : i32
        %cond3A_252 = arith.cmpi ne, %convert_element_type3A_250, %cond3A_251 : i32
        scf.if %cond3A_252 {
          %dma_wait3A = arith.constant 4 : i32
          %dma_wait3A_268 = arith.constant 0 : i32
          %dma_wait3A_269 = arith.constant 0 : i32
          %dma_wait3A_270 = tpu.memref_slice %arg8[%dma_wait3A, %dma_wait3A_268, %dma_wait3A_269] : memref<8x64x128xf32, #tpu.memory_space<vmem>> -> memref<1x64x128xf32, #tpu.memory_space<vmem>>
          %dma_wait3A_271 = tpu.memref_squeeze %dma_wait3A_270 : memref<1x64x128xf32, #tpu.memory_space<vmem>> -> memref<64x128xf32, #tpu.memory_space<vmem>>
          %dma_wait3A_272 = arith.constant 0 : i32
          %dma_wait3A_273 = arith.constant 0 : i32
          %dma_wait3A_274 = tpu.memref_slice %arg4[%dma_wait3A_272, %dma_wait3A_273] : memref<64x1000000xf32, #tpu.memory_space<hbm>> -> memref<64x128xf32, #tpu.memory_space<hbm>>
          %dma_wait3A_275 = arith.constant 0 : i32
          %dma_wait3A_276 = arith.constant 0 : i32
          %dma_wait3A_277 = tpu.memref_slice %arg8[%dma_wait3A, %dma_wait3A_275, %dma_wait3A_276] : memref<8x64x128xf32, #tpu.memory_space<vmem>> -> memref<1x64x128xf32, #tpu.memory_space<vmem>>
          %dma_wait3A_278 = tpu.memref_squeeze %dma_wait3A_277 : memref<1x64x128xf32, #tpu.memory_space<vmem>> -> memref<64x128xf32, #tpu.memory_space<vmem>>
          %dma_wait3A_279 = arith.constant 0 : i32
          %dma_wait3A_280 = arith.constant 0 : i32
          %dma_wait3A_281 = tpu.memref_slice %arg4[%dma_wait3A_279, %dma_wait3A_280] : memref<64x1000000xf32, #tpu.memory_space<hbm>> -> memref<64x128xf32, #tpu.memory_space<hbm>>
          tpu.wait_dma2 semaphore(%arg16 : memref<!tpu.dma_semaphore, #tpu.memory_space<semaphore_mem>>) src(%dma_wait3A_281 : memref<64x128xf32, #tpu.memory_space<hbm>>) dst(%dma_wait3A_278 : memref<64x128xf32, #tpu.memory_space<vmem>>)
        } else {
        }
        %eq3A_253 = arith.constant 5 : i32
        %eq3A_254 = arith.cmpi eq, %select_n3A_227, %eq3A_253 : i32
        %convert_element_type3A_255 = arith.extui %eq3A_254 : i1 to i32
        %cond3A_256 = arith.constant 0 : i32
        %cond3A_257 = arith.cmpi ne, %convert_element_type3A_255, %cond3A_256 : i32
        scf.if %cond3A_257 {
          %dma_wait3A = arith.constant 5 : i32
          %dma_wait3A_268 = arith.constant 0 : i32
          %dma_wait3A_269 = arith.constant 0 : i32
          %dma_wait3A_270 = tpu.memref_slice %arg8[%dma_wait3A, %dma_wait3A_268, %dma_wait3A_269] : memref<8x64x128xf32, #tpu.memory_space<vmem>> -> memref<1x64x128xf32, #tpu.memory_space<vmem>>
          %dma_wait3A_271 = tpu.memref_squeeze %dma_wait3A_270 : memref<1x64x128xf32, #tpu.memory_space<vmem>> -> memref<64x128xf32, #tpu.memory_space<vmem>>
          %dma_wait3A_272 = arith.constant 0 : i32
          %dma_wait3A_273 = arith.constant 0 : i32
          %dma_wait3A_274 = tpu.memref_slice %arg4[%dma_wait3A_272, %dma_wait3A_273] : memref<64x1000000xf32, #tpu.memory_space<hbm>> -> memref<64x128xf32, #tpu.memory_space<hbm>>
          %dma_wait3A_275 = arith.constant 0 : i32
          %dma_wait3A_276 = arith.constant 0 : i32
          %dma_wait3A_277 = tpu.memref_slice %arg8[%dma_wait3A, %dma_wait3A_275, %dma_wait3A_276] : memref<8x64x128xf32, #tpu.memory_space<vmem>> -> memref<1x64x128xf32, #tpu.memory_space<vmem>>
          %dma_wait3A_278 = tpu.memref_squeeze %dma_wait3A_277 : memref<1x64x128xf32, #tpu.memory_space<vmem>> -> memref<64x128xf32, #tpu.memory_space<vmem>>
          %dma_wait3A_279 = arith.constant 0 : i32
          %dma_wait3A_280 = arith.constant 0 : i32
          %dma_wait3A_281 = tpu.memref_slice %arg4[%dma_wait3A_279, %dma_wait3A_280] : memref<64x1000000xf32, #tpu.memory_space<hbm>> -> memref<64x128xf32, #tpu.memory_space<hbm>>
          tpu.wait_dma2 semaphore(%arg17 : memref<!tpu.dma_semaphore, #tpu.memory_space<semaphore_mem>>) src(%dma_wait3A_281 : memref<64x128xf32, #tpu.memory_space<hbm>>) dst(%dma_wait3A_278 : memref<64x128xf32, #tpu.memory_space<vmem>>)
        } else {
        }
        %eq3A_258 = arith.constant 6 : i32
        %eq3A_259 = arith.cmpi eq, %select_n3A_227, %eq3A_258 : i32
        %convert_element_type3A_260 = arith.extui %eq3A_259 : i1 to i32
        %cond3A_261 = arith.constant 0 : i32
        %cond3A_262 = arith.cmpi ne, %convert_element_type3A_260, %cond3A_261 : i32
        scf.if %cond3A_262 {
          %dma_wait3A = arith.constant 6 : i32
          %dma_wait3A_268 = arith.constant 0 : i32
          %dma_wait3A_269 = arith.constant 0 : i32
          %dma_wait3A_270 = tpu.memref_slice %arg8[%dma_wait3A, %dma_wait3A_268, %dma_wait3A_269] : memref<8x64x128xf32, #tpu.memory_space<vmem>> -> memref<1x64x128xf32, #tpu.memory_space<vmem>>
          %dma_wait3A_271 = tpu.memref_squeeze %dma_wait3A_270 : memref<1x64x128xf32, #tpu.memory_space<vmem>> -> memref<64x128xf32, #tpu.memory_space<vmem>>
          %dma_wait3A_272 = arith.constant 0 : i32
          %dma_wait3A_273 = arith.constant 0 : i32
          %dma_wait3A_274 = tpu.memref_slice %arg4[%dma_wait3A_272, %dma_wait3A_273] : memref<64x1000000xf32, #tpu.memory_space<hbm>> -> memref<64x128xf32, #tpu.memory_space<hbm>>
          %dma_wait3A_275 = arith.constant 0 : i32
          %dma_wait3A_276 = arith.constant 0 : i32
          %dma_wait3A_277 = tpu.memref_slice %arg8[%dma_wait3A, %dma_wait3A_275, %dma_wait3A_276] : memref<8x64x128xf32, #tpu.memory_space<vmem>> -> memref<1x64x128xf32, #tpu.memory_space<vmem>>
          %dma_wait3A_278 = tpu.memref_squeeze %dma_wait3A_277 : memref<1x64x128xf32, #tpu.memory_space<vmem>> -> memref<64x128xf32, #tpu.memory_space<vmem>>
          %dma_wait3A_279 = arith.constant 0 : i32
          %dma_wait3A_280 = arith.constant 0 : i32
          %dma_wait3A_281 = tpu.memref_slice %arg4[%dma_wait3A_279, %dma_wait3A_280] : memref<64x1000000xf32, #tpu.memory_space<hbm>> -> memref<64x128xf32, #tpu.memory_space<hbm>>
          tpu.wait_dma2 semaphore(%arg18 : memref<!tpu.dma_semaphore, #tpu.memory_space<semaphore_mem>>) src(%dma_wait3A_281 : memref<64x128xf32, #tpu.memory_space<hbm>>) dst(%dma_wait3A_278 : memref<64x128xf32, #tpu.memory_space<vmem>>)
        } else {
        }
        %eq3A_263 = arith.constant 7 : i32
        %eq3A_264 = arith.cmpi eq, %select_n3A_227, %eq3A_263 : i32
        %convert_element_type3A_265 = arith.extui %eq3A_264 : i1 to i32
        %cond3A_266 = arith.constant 0 : i32
        %cond3A_267 = arith.cmpi ne, %convert_element_type3A_265, %cond3A_266 : i32
        scf.if %cond3A_267 {
          %dma_wait3A = arith.constant 7 : i32
          %dma_wait3A_268 = arith.constant 0 : i32
          %dma_wait3A_269 = arith.constant 0 : i32
          %dma_wait3A_270 = tpu.memref_slice %arg8[%dma_wait3A, %dma_wait3A_268, %dma_wait3A_269] : memref<8x64x128xf32, #tpu.memory_space<vmem>> -> memref<1x64x128xf32, #tpu.memory_space<vmem>>
          %dma_wait3A_271 = tpu.memref_squeeze %dma_wait3A_270 : memref<1x64x128xf32, #tpu.memory_space<vmem>> -> memref<64x128xf32, #tpu.memory_space<vmem>>
          %dma_wait3A_272 = arith.constant 0 : i32
          %dma_wait3A_273 = arith.constant 0 : i32
          %dma_wait3A_274 = tpu.memref_slice %arg4[%dma_wait3A_272, %dma_wait3A_273] : memref<64x1000000xf32, #tpu.memory_space<hbm>> -> memref<64x128xf32, #tpu.memory_space<hbm>>
          %dma_wait3A_275 = arith.constant 0 : i32
          %dma_wait3A_276 = arith.constant 0 : i32
          %dma_wait3A_277 = tpu.memref_slice %arg8[%dma_wait3A, %dma_wait3A_275, %dma_wait3A_276] : memref<8x64x128xf32, #tpu.memory_space<vmem>> -> memref<1x64x128xf32, #tpu.memory_space<vmem>>
          %dma_wait3A_278 = tpu.memref_squeeze %dma_wait3A_277 : memref<1x64x128xf32, #tpu.memory_space<vmem>> -> memref<64x128xf32, #tpu.memory_space<vmem>>
          %dma_wait3A_279 = arith.constant 0 : i32
          %dma_wait3A_280 = arith.constant 0 : i32
          %dma_wait3A_281 = tpu.memref_slice %arg4[%dma_wait3A_279, %dma_wait3A_280] : memref<64x1000000xf32, #tpu.memory_space<hbm>> -> memref<64x128xf32, #tpu.memory_space<hbm>>
          tpu.wait_dma2 semaphore(%arg19 : memref<!tpu.dma_semaphore, #tpu.memory_space<semaphore_mem>>) src(%dma_wait3A_281 : memref<64x128xf32, #tpu.memory_space<hbm>>) dst(%dma_wait3A_278 : memref<64x128xf32, #tpu.memory_space<vmem>>)
        } else {
        }
      } else {
      }
      %convert_element_type3A_146 = arith.extui %or3A_142 : i1 to i32
      %add3A_147 = arith.addi %scan3A_76, %convert_element_type3A_146 : i32
      %sub3A_148 = arith.constant 1 : i32
      %sub3A_149 = arith.subi %add3A_147, %sub3A_148 : i32
      %jit3A = arith.constant 8 : i32
      %eq3A_150 = arith.constant 0 : i32
      %eq3A_151 = arith.cmpi eq, %jit3A, %eq3A_150 : i32
      %jit3A_152 = arith.constant 1 : i32
      %select_n3A = arith.select %eq3A_151, %jit3A_152, %jit3A : i32
      %rem3A = arith.remsi %sub3A_149, %select_n3A : i32
      %ne3A_153 = arith.constant 0 : i32
      %ne3A_154 = arith.cmpi ne, %rem3A, %ne3A_153 : i32
      %lt3A_155 = arith.constant 0 : i32
      %lt3A_156 = arith.cmpi slt, %rem3A, %lt3A_155 : i32
      %lt3A_157 = arith.constant 0 : i32
      %lt3A_158 = arith.cmpi slt, %select_n3A, %lt3A_157 : i32
      %ne3A_159 = arith.xori %lt3A_156, %lt3A_158 : i1
      %and3A_160 = arith.andi %ne3A_159, %ne3A_154 : i1
      %add3A_161 = arith.addi %rem3A, %select_n3A : i32
      %select_n3A_162 = arith.select %and3A_160, %add3A_161, %rem3A : i32
      %jit3A_163 = arith.constant 8 : i32
      %eq3A_164 = arith.constant 0 : i32
      %eq3A_165 = arith.cmpi eq, %jit3A_163, %eq3A_164 : i32
      %jit3A_166 = arith.constant 1 : i32
      %select_n3A_167 = arith.select %eq3A_165, %jit3A_166, %jit3A_163 : i32
      %rem3A_168 = arith.remsi %scan3A_73, %select_n3A_167 : i32
      %ne3A_169 = arith.constant 0 : i32
      %ne3A_170 = arith.cmpi ne, %rem3A_168, %ne3A_169 : i32
      %lt3A_171 = arith.constant 0 : i32
      %lt3A_172 = arith.cmpi slt, %rem3A_168, %lt3A_171 : i32
      %lt3A_173 = arith.constant 0 : i32
      %lt3A_174 = arith.cmpi slt, %select_n3A_167, %lt3A_173 : i32
      %ne3A_175 = arith.xori %lt3A_172, %lt3A_174 : i1
      %and3A_176 = arith.andi %ne3A_175, %ne3A_170 : i1
      %add3A_177 = arith.addi %rem3A_168, %select_n3A_167 : i32
      %select_n3A_178 = arith.select %and3A_176, %add3A_177, %rem3A_168 : i32
      %ge3A = arith.constant 8 : i32
      %ge3A_179 = arith.cmpi sge, %scan3A_73, %ge3A : i32
      %convert_element_type3A_180 = arith.extui %ge3A_179 : i1 to i32
      %cond3A_181 = arith.constant 0 : i32
      %cond3A_182 = arith.cmpi ne, %convert_element_type3A_180, %cond3A_181 : i32
      scf.if %cond3A_182 {
        %dma_wait3A = arith.constant 0 : i32
        %dma_wait3A_212 = arith.constant 0 : i32
        %dma_wait3A_213 = tpu.memref_slice %arg9[%dma_wait3A, %dma_wait3A_212] : memref<8x64xf32, #tpu.memory_space<vmem>> -> memref<1x64xf32, #tpu.memory_space<vmem>>
        %dma_wait3A_214 = arith.constant 0 : i32
        %dma_wait3A_215 = arith.constant 0 : i32
        %dma_wait3A_216 = tpu.memref_slice %arg5[%dma_wait3A_214, %dma_wait3A_215] : memref<16384x64xf32, #tpu.memory_space<hbm>> -> memref<1x64xf32, #tpu.memory_space<hbm>>
        %dma_wait3A_217 = arith.constant 0 : i32
        %dma_wait3A_218 = arith.constant 0 : i32
        %dma_wait3A_219 = tpu.memref_slice %arg5[%dma_wait3A_217, %dma_wait3A_218] : memref<16384x64xf32, #tpu.memory_space<hbm>> -> memref<1x64xf32, #tpu.memory_space<hbm>>
        %dma_wait3A_220 = arith.constant 0 : i32
        %dma_wait3A_221 = arith.constant 0 : i32
        %dma_wait3A_222 = tpu.memref_slice %arg9[%dma_wait3A_220, %dma_wait3A_221] : memref<8x64xf32, #tpu.memory_space<vmem>> -> memref<1x64xf32, #tpu.memory_space<vmem>>
        tpu.wait_dma2 semaphore(%arg20 : memref<!tpu.dma_semaphore, #tpu.memory_space<semaphore_mem>>) src(%dma_wait3A_222 : memref<1x64xf32, #tpu.memory_space<vmem>>) dst(%dma_wait3A_219 : memref<1x64xf32, #tpu.memory_space<hbm>>)
      } else {
      }
      %get3A_183 = arith.index_cast %scan3A_73 : i32 to index
      %get3A_184 = memref.load %arg11[%get3A_183] : memref<512xi32, #tpu.memory_space<smem>>
      %and3A_185 = arith.constant 127 : i32
      %and3A_186 = arith.andi %get3A_184, %and3A_185 : i32
      %shift_right_arithmetic3A = arith.constant 7 : i32
      %shift_right_arithmetic3A_187 = arith.shrsi %get3A_184, %shift_right_arithmetic3A : i32
      %broadcast_in_dim3A = vector.broadcast %select_n3A_162 : i32 to vector<16xi32>
      %broadcast_in_dim3A_188 = vector.broadcast %and3A_186 : i32 to vector<16xi32>
      %broadcast_in_dim3A_189 = vector.broadcast %select_n3A_178 : i32 to vector<16xi32>
      %add3A_190 = arith.constant 0 : i32
      %add3A_191 = vector.broadcast %add3A_190 : i32 to vector<16xi32>
      %add3A_192 = arith.addi %iota3A, %add3A_191 : vector<16xi32>
      %gather3A = tpu.vector_load_idx %arg8[%broadcast_in_dim3A, %add3A_192, %broadcast_in_dim3A_188] : memref<8x64x128xf32, #tpu.memory_space<vmem>>[vector<16xi32>, vector<16xi32>, vector<16xi32>], vector<16xf32>,
      tpu.vector_store_idx %arg9[%broadcast_in_dim3A_189, %add3A_192], %gather3A : memref<8x64xf32, #tpu.memory_space<vmem>>[vector<16xi32>, vector<16xi32>], vector<16xf32>,
      %add3A_193 = arith.constant 16 : i32
      %add3A_194 = vector.broadcast %add3A_193 : i32 to vector<16xi32>
      %add3A_195 = arith.addi %iota3A, %add3A_194 : vector<16xi32>
      %gather3A_196 = tpu.vector_load_idx %arg8[%broadcast_in_dim3A, %add3A_195, %broadcast_in_dim3A_188] : memref<8x64x128xf32, #tpu.memory_space<vmem>>[vector<16xi32>, vector<16xi32>, vector<16xi32>], vector<16xf32>,
      tpu.vector_store_idx %arg9[%broadcast_in_dim3A_189, %add3A_195], %gather3A_196 : memref<8x64xf32, #tpu.memory_space<vmem>>[vector<16xi32>, vector<16xi32>], vector<16xf32>,
      %add3A_197 = arith.constant 32 : i32
      %add3A_198 = vector.broadcast %add3A_197 : i32 to vector<16xi32>
      %add3A_199 = arith.addi %iota3A, %add3A_198 : vector<16xi32>
      %gather3A_200 = tpu.vector_load_idx %arg8[%broadcast_in_dim3A, %add3A_199, %broadcast_in_dim3A_188] : memref<8x64x128xf32, #tpu.memory_space<vmem>>[vector<16xi32>, vector<16xi32>, vector<16xi32>], vector<16xf32>,
      tpu.vector_store_idx %arg9[%broadcast_in_dim3A_189, %add3A_199], %gather3A_200 : memref<8x64xf32, #tpu.memory_space<vmem>>[vector<16xi32>, vector<16xi32>], vector<16xf32>,
      %add3A_201 = arith.constant 48 : i32
      %add3A_202 = vector.broadcast %add3A_201 : i32 to vector<16xi32>
      %add3A_203 = arith.addi %iota3A, %add3A_202 : vector<16xi32>
      %gather3A_204 = tpu.vector_load_idx %arg8[%broadcast_in_dim3A, %add3A_203, %broadcast_in_dim3A_188] : memref<8x64x128xf32, #tpu.memory_space<vmem>>[vector<16xi32>, vector<16xi32>, vector<16xi32>], vector<16xf32>,
      tpu.vector_store_idx %arg9[%broadcast_in_dim3A_189, %add3A_203], %gather3A_204 : memref<8x64xf32, #tpu.memory_space<vmem>>[vector<16xi32>, vector<16xi32>], vector<16xf32>,
      %dma_start3A = arith.constant 0 : i32
      %dma_start3A_205 = tpu.memref_slice %arg9[%select_n3A_178, %dma_start3A] : memref<8x64xf32, #tpu.memory_space<vmem>> -> memref<1x64xf32, #tpu.memory_space<vmem>>
      %dma_start3A_206 = arith.constant 0 : i32
      %dma_start3A_207 = tpu.memref_slice %arg5[%shift_right_arithmetic3A_187, %dma_start3A_206] : memref<16384x64xf32, #tpu.memory_space<hbm>> -> memref<1x64xf32, #tpu.memory_space<hbm>>
      %dma_start3A_208 = arith.constant 0 : i32
      %dma_start3A_209 = tpu.memref_slice %arg5[%shift_right_arithmetic3A_187, %dma_start3A_208] : memref<16384x64xf32, #tpu.memory_space<hbm>> -> memref<1x64xf32, #tpu.memory_space<hbm>>
      %dma_start3A_210 = arith.constant 0 : i32
      %dma_start3A_211 = tpu.memref_slice %arg9[%select_n3A_178, %dma_start3A_210] : memref<8x64xf32, #tpu.memory_space<vmem>> -> memref<1x64xf32, #tpu.memory_space<vmem>>
      tpu.enqueue_dma source(%dma_start3A_211 : memref<1x64xf32, #tpu.memory_space<vmem>>) target(%dma_start3A_209 : memref<1x64xf32, #tpu.memory_space<hbm>>) target_semaphore(%arg20 : memref<!tpu.dma_semaphore, #tpu.memory_space<semaphore_mem>>)
      scf.yield %add3A_129, %add3A_131, %add3A_147 : i32, i32, i32
    }
    %scan3A_66 = arith.constant 512 : i32
    %scan3A_67 = arith.constant 0 : i32
    %scan3A_68 = arith.constant 0 : i32
    %scan3A_69 = arith.constant 8 : i32
    %scan3A_70 = arith.addi %scan3A_68, %scan3A_69 : i32
    %scan3A_71 = arith.constant 1 : i32
    scf.for %scan3A_73 = %scan3A_68 to %scan3A_70 step %scan3A_71  : i32 {
      %dma_wait3A = arith.constant 0 : i32
      %dma_wait3A_74 = arith.constant 0 : i32
      %dma_wait3A_75 = tpu.memref_slice %arg9[%dma_wait3A, %dma_wait3A_74] : memref<8x64xf32, #tpu.memory_space<vmem>> -> memref<1x64xf32, #tpu.memory_space<vmem>>
      %dma_wait3A_76 = arith.constant 0 : i32
      %dma_wait3A_77 = arith.constant 0 : i32
      %dma_wait3A_78 = tpu.memref_slice %arg5[%dma_wait3A_76, %dma_wait3A_77] : memref<16384x64xf32, #tpu.memory_space<hbm>> -> memref<1x64xf32, #tpu.memory_space<hbm>>
      %dma_wait3A_79 = arith.constant 0 : i32
      %dma_wait3A_80 = arith.constant 0 : i32
      %dma_wait3A_81 = tpu.memref_slice %arg5[%dma_wait3A_79, %dma_wait3A_80] : memref<16384x64xf32, #tpu.memory_space<hbm>> -> memref<1x64xf32, #tpu.memory_space<hbm>>
      %dma_wait3A_82 = arith.constant 0 : i32
      %dma_wait3A_83 = arith.constant 0 : i32
      %dma_wait3A_84 = tpu.memref_slice %arg9[%dma_wait3A_82, %dma_wait3A_83] : memref<8x64xf32, #tpu.memory_space<vmem>> -> memref<1x64xf32, #tpu.memory_space<vmem>>
      tpu.wait_dma2 semaphore(%arg20 : memref<!tpu.dma_semaphore, #tpu.memory_space<semaphore_mem>>) src(%dma_wait3A_84 : memref<1x64xf32, #tpu.memory_space<vmem>>) dst(%dma_wait3A_81 : memref<1x64xf32, #tpu.memory_space<hbm>>)
    }
    %scan3A_72 = arith.constant 8 : i32
    return
  }
}

module attributes {stable_mosaic.version = 14 : i64} {
  func.func @_mm_body(%arg0: i32, %arg1: memref<64x64xf32, #tpu.memory_space<vmem>>, %arg2: memref<4096x64xf32, #tpu.memory_space<vmem>>, %arg3: memref<64x1xf32, #tpu.memory_space<vmem>>, %arg4: memref<64x4096xf32, #tpu.memory_space<vmem>>) attributes {dimension_semantics = [#tpu.dimension_semantics<arbitrary>], iteration_bounds = array<i64: 4>, scalar_prefetch = 0 : i64, scratch_operands = 0 : i64, tpu.core_type = #tpu.core_type<tc>, window_params = [{pipeline_mode = #tpu.pipeline_mode<synchronous>, transform_indices = @transform_0, window_bounds = array<i64: 64, 64>}, {transform_indices = @transform_1, window_bounds = array<i64: 4096, 64>}, {pipeline_mode = #tpu.pipeline_mode<synchronous>, transform_indices = @transform_2, window_bounds = array<i64: 64, 1>}, {transform_indices = @transform_3, window_bounds = array<i64: 64, 4096>}]} {
    %get3A = arith.constant 0 : index
    %get3A_0 = arith.constant 0 : index
    %get3A_1 = vector.load %arg1[%get3A, %get3A_0] : memref<64x64xf32, #tpu.memory_space<vmem>>, vector<64x64xf32>
    %get3A_2 = arith.constant 0 : index
    %get3A_3 = arith.constant 0 : index
    %get3A_4 = vector.load %arg2[%get3A_2, %get3A_3] : memref<4096x64xf32, #tpu.memory_space<vmem>>, vector<4096x64xf32>
    %dot_general3A = arith.constant dense<0.000000e+00> : vector<64x4096xf32>
    %dot_general3A_5 = tpu.matmul %get3A_1, %get3A_4, %dot_general3A {dimension_numbers = #tpu.dot_dimension_numbers<[0], [1], [1], [0], [0, 1, 1, 0], [], []>, transpose_lhs_hint = false} : vector<64x64xf32>, vector<4096x64xf32>, vector<64x4096xf32> -> vector<64x4096xf32>
    %get3A_6 = arith.constant 0 : index
    %get3A_7 = arith.constant 0 : index
    %get3A_8 = vector.load %arg3[%get3A_6, %get3A_7] : memref<64x1xf32, #tpu.memory_space<vmem>>, vector<64x1xf32>
    %add3A = vector.broadcast %get3A_8 : vector<64x1xf32> to vector<64x4096xf32>
    %add3A_9 = arith.addf %dot_general3A_5, %add3A : vector<64x4096xf32>
    %swap3A = arith.constant 0 : index
    %swap3A_10 = arith.constant 0 : index
    %swap3A_11 = vector.load %arg4[%swap3A, %swap3A_10] : memref<64x4096xf32, #tpu.memory_space<vmem>>, vector<64x4096xf32>
    tpu.vector_store %arg4[%swap3A, %swap3A_10], %add3A_9 {strides = array<i32>} : memref<64x4096xf32, #tpu.memory_space<vmem>>, vector<64x4096xf32>,
    return
  }
  func.func @transform_0(%arg0: i32) -> (i32, i32) {
    %c0_i32 = arith.constant 0 : i32
    %c0_i32_0 = arith.constant 0 : i32
    %c0_i32_1 = arith.constant 0 : i32
    return %c0_i32, %c0_i32_0 : i32, i32
  }
  func.func @transform_1(%arg0: i32) -> (i32, i32) {
    %c0_i32 = arith.constant 0 : i32
    %c0_i32_0 = arith.constant 0 : i32
    return %arg0, %c0_i32 : i32, i32
  }
  func.func @transform_2(%arg0: i32) -> (i32, i32) {
    %c0_i32 = arith.constant 0 : i32
    %c0_i32_0 = arith.constant 0 : i32
    %c0_i32_1 = arith.constant 0 : i32
    return %c0_i32, %c0_i32_0 : i32, i32
  }
  func.func @transform_3(%arg0: i32) -> (i32, i32) {
    %c0_i32 = arith.constant 0 : i32
    %c0_i32_0 = arith.constant 0 : i32
    return %c0_i32, %arg0 : i32, i32
  }
}

</mosaic_0001>

<sc_bundles>
// kernel: kernel.4.cloned.1.call-start
scs
__scs_entry_jumppad:
0x0: {  	(pc) =	sbr.rel $0x88, $3  }
0x1: {  	(tag) =	ssettag $0x0;
	lr =	simm.s32 $0x1  }
0x2: {  	[smem:$0x3F9D] =	sst lr;
	_ =	strace $0xD0000000  }
0x3: {  	_ = 	snop  }
0x4: {  	_ = 	snop  }
0x5: {  	_ = 	snop  }
0x6: {  	_ = 	snop  }
0x7: {  	_ = 	snop  }
__scs_overlays_trampoline_lowered:
0x8: {  	[smem:$0x3FAC] =	sst s0  }
0x9: {  	[smem:$0x3FAD] =	sst s1  }
0xa: {  	[smem:$0x3FAE] =	sst s2  }
0xb: {  	[smem:$0x3FAF] =	sst s3  }
0xc: {  	[smem:$0x3FB0] =	sst s4  }
0xd: {  	[smem:$0x3FB1] =	sst s5  }
0xe: {  	[smem:$0x3FB2] =	sst s6  }
0xf: {  	[smem:$0x3FB3] =	sst s7  }
0x10: {  	[smem:$0x3FB4] =	sst s8  }
0x11: {  	[smem:$0x3FB5] =	sst s9;
	s0 =	simm.s32 @!p0 $0x0  }
0x12: {  	s1 =	sld [smem:$0x3F9B];
	s0 =	simm.s32 @p0 $0x1  }
0x13: {  	[smem:$0x3FB6] =	sst s0;
	s0 =	simm.s32 @!p1 $0x0  }
0x14: {  	s2 =	sld [smem:$0x3F9A];
	s0 =	simm.s32 @p1 $0x1  }
0x15: {  	[smem:$0x3FB7] =	sst s0;
	s0 =	simm.s32 @!p2 $0x0  }
0x16: {  	s3 =	sld [smem:$0x3FDB];
	s0 =	simm.s32 @p2 $0x1  }
0x17: {  	s4 =	simm.s32 $0x1BF5;
	[smem:$0x3FB9] =	sst s0  }
0x18: {  	s0 =	sld [smem:$0x3F9C];
	_ =	swait.ge [sflag:s4], $0x0  }
0x19: {  	s7 =	sld [smem:$0x3F9D]  }
0x1a: {  	s8 =	sadd.s32 $0xFFFFE003, lr  }
0x1b: {  	s9 =	sadd.s32 $0xFFFFFEF7, lr;
	s5 =	simm.s32 $0xFFFFFFFF;
	p2 =	slt.u32 s8, $0xFFFFF086  }
0x1c: {  	p1 =	slt.u32 s9, $0xF7A;
	s5 =	simm.s32 @!p2 $0x0  }
0x1d: {  	s5 =	simm.s32 @p1 $0x1;
	p0 =	seq.s32 s7, s2  }
0x1e: {  	s7 =	smul.u32 @!p0 $0xF7A, s2;
	p2 =	seq.s32 @!p0 s5, $0x0  }
0x1f: {  	s9 =	smul.u32 $0xF7A, s1;
	s8 =	simm.s32 @!p0 $0x1BF5;
	p2 =	por !p2, p0  }
0x20: {  	[sflag:s8] =	ssyncset.s32 @!p0 $0xFFFFF086;
	s6 =	sadd.s32 @!p0 s3, s7;
	s7 =	simm.s32 @!p0 $0x108  }
0x21: {  	s3 =	sadd.s32 s3, s9;
	s6 =	sadd.s32 @!p0 $0x88, s6;
	s7 =	simm.s32 @p2 $0x1082  }
0x22: {  	[simem:s7], [sflag:s8] =	dma.local @!p0 [hbm:s6], $0xF7A  }
0x23: {  	s9 =	sor.u32 $0xD0000000, s2;
	s6 =	simm.s32 $0x108;
	_ =	swait.ge @!p0 [sflag:s8], $0x0  }
0x24: {  	s3 =	sadd.s32 $0x88, s3;
	s6 =	simm.s32 @!p1 $0x1082;
	[sflag:s4] =	ssyncset.s32 $0xFFFFF086  }
0x25: {  	[simem:s6], [sflag:s4] =	dma.local [hbm:s3], $0xF7A  }
0x26: {  	[smem:$0x3F9D] =	sst s1;
	(tag) =	ssettag s2;
	_ =	strace s9  }
0x27: {  	s1 =	sld [smem:$0x3FAD]  }
0x28: {  	s2 =	sld [smem:$0x3FAE]  }
0x29: {  	s4 =	sld [smem:$0x3FB0]  }
0x2a: {  	p0 =	seq.s32 s5, $0x0;
	s5 =	sld [smem:$0x3FB1]  }
0x2b: {  	s6 =	sld [smem:$0x3FB2]  }
0x2c: {  	s7 =	sld [smem:$0x3FB3]  }
0x2d: {  	s3 =	simm.s32 $0x108;
	s8 =	sld [smem:$0x3FB4]  }
0x2e: {  	s3 =	simm.s32 @!p0 $0x1082;
	s9 =	sld [smem:$0x3FB5]  }
0x2f: {  	lr =	sadd.s32 s0, s3;
	s0 =	sld [smem:$0x3FAC]  }
0x30: {  	s3 =	sld [smem:$0x3FAF]  }
0x31: {  	[smem:$0x3FB8] =	sst s10  }
0x32: {  	s10 =	sld [smem:$0x3FB6];
	_ =	sdelay $0x3  }
0x33: {  	p0 =	seq.s32 s10, $0x1;
	s10 =	sld [smem:$0x3FB8];
	_ =	sdelay $0x3  }
0x34: {  	[smem:$0x3FB8] =	sst s10  }
0x35: {  	s10 =	sld [smem:$0x3FB7];
	_ =	sdelay $0x3  }
0x36: {  	p1 =	seq.s32 s10, $0x1;
	s10 =	sld [smem:$0x3FB8];
	_ =	sdelay $0x3  }
0x37: {  	[smem:$0x3FB8] =	sst s10  }
0x38: {  	s10 =	sld [smem:$0x3FB9]  }
0x39: {  	_ = 	snop;
	(pc) =	sbr.ind lr, $3  }
0x3a: {  	_ = 	snop  }
0x3b: {  	_ = 	snop  }
0x3c: {  	p2 =	seq.s32 s10, $0x1;
	s10 =	sld [smem:$0x3FB8]  }
0x3d: {  	_ =	shalt  }
0x3e: {  	_ =	shalt  }
0x3f: {  	_ =	shalt  }
0x40: {  	_ =	shalt  }
0x41: {  	_ =	shalt  }
0x42: {  	_ =	shalt  }
0x43: {  	_ =	shalt  }
0x44: {  	_ =	shalt  }
0x45: {  	_ =	shalt  }
0x46: {  	_ =	shalt  }
0x47: {  	_ =	shalt  }
0x48: {  	_ =	shalt  }
0x49: {  	_ =	shalt  }
0x4a: {  	_ =	shalt  }
0x4b: {  	_ =	shalt  }
0x4c: {  	_ =	shalt  }
0x4d: {  	_ =	shalt  }
0x4e: {  	_ =	shalt  }
0x4f: {  	_ =	shalt  }
0x50: {  	_ =	shalt  }
0x51: {  	_ =	shalt  }
0x52: {  	_ =	shalt  }
0x53: {  	_ =	shalt  }
0x54: {  	_ =	shalt  }
0x55: {  	_ =	shalt  }
0x56: {  	_ =	shalt  }
0x57: {  	_ =	shalt  }
0x58: {  	_ =	shalt  }
0x59: {  	_ =	shalt  }
0x5a: {  	_ =	shalt  }
0x5b: {  	_ =	shalt  }
0x5c: {  	_ =	shalt  }
0x5d: {  	_ =	shalt  }
0x5e: {  	_ =	shalt  }
0x5f: {  	_ =	shalt  }
0x60: {  	_ =	shalt  }
0x61: {  	_ =	shalt  }
0x62: {  	_ =	shalt  }
0x63: {  	_ =	shalt  }
0x64: {  	_ =	shalt  }
0x65: {  	_ =	shalt  }
0x66: {  	_ =	shalt  }
0x67: {  	_ =	shalt  }
0x68: {  	_ =	shalt  }
0x69: {  	_ =	shalt  }
0x6a: {  	_ =	shalt  }
0x6b: {  	_ =	shalt  }
0x6c: {  	_ =	shalt  }
0x6d: {  	_ =	shalt  }
0x6e: {  	_ =	shalt  }
0x6f: {  	_ =	shalt  }
0x70: {  	_ =	shalt  }
0x71: {  	_ =	shalt  }
0x72: {  	_ =	shalt  }
0x73: {  	_ =	shalt  }
0x74: {  	_ =	shalt  }
0x75: {  	_ =	shalt  }
0x76: {  	_ =	shalt  }
0x77: {  	_ =	shalt  }
0x78: {  	_ =	shalt  }
0x79: {  	_ =	shalt  }
0x7a: {  	_ =	shalt  }
0x7b: {  	_ =	shalt  }
0x7c: {  	_ =	shalt  }
0x7d: {  	_ =	shalt  }
0x7e: {  	_ =	shalt  }
0x7f: {  	_ =	shalt  }
0x80: {  	_ =	shalt  }
0x81: {  	_ =	shalt  }
0x82: {  	_ =	shalt  }
0x83: {  	_ =	shalt  }
0x84: {  	_ =	shalt  }
0x85: {  	_ =	shalt  }
0x86: {  	_ =	shalt  }
0x87: {  	_ =	shalt  }
.Lfunc_end0:
.L_simem_size_0:
called_computation_lowered:
.L_overlay_start_0:
0x88: {  	s2 =	sld [smem:$0x3FD9]  }
0x89: {  	s3 =	sld [smem:$0x3FFE];
	_ =	sdelay $0x1  }
0x8a: {  	s1 =	srdreg.scid  }
0x8b: {  	s0 =	sand.u32 $0x1, s1  }
0x8c: {  	s17 =	sshll.u32 s0, $0xA;
	s2 =	sadd.s32 s3, s2  }
0x8d: {  	s2 =	sadd.s32 s2, s17  }
0x8e: {  	[smem:$0x3FC4] =	sst s2  }
0x8f: {  	_ = 	snop  }
0x90: {  	s2 =	sld [smem:$0x3FC8]  }
0x91: {  	s18 =	sld [smem:$0x3FD0];
	(tm) =	ssettm $0x1  }
0x92: {  	s4 =	sld [smem:$0x3FFB];
	_ =	sdelay $0x3  }
0x93: {  	_ =	strace s4  }
0x94: {  	s4 =	sld [smem:$0x3FFC];
	_ =	sdelay $0x3  }
0x95: {  	_ =	strace s4  }
0x96: {  	s4 =	sld [smem:$0x3FFD];
	_ =	sdelay $0x3  }
0x97: {  	_ =	strace s4  }
0x98: {  	_ =	strace $0x8FFFFFFF  }
0x99: {  	s19 =	sld [smem:$0x3FDB];
	_ =	sdelay $0x1  }
0x9a: {  	s5 =	simm.s32 $_scs_section_size  }
0x9b: {  	s6 =	simm.s32 $_size__tile_overlayer_lowered;
	s7 =	simm.s32 $_tile_overlayer_lowered  }
0x9c: {  	s22 =	simm.s32 $0x1BFF;
	s21 =	sshll.u32 s7, $0x1;
	s4 =	sadd.s32 s5, s19  }
0x9d: {  	s8 =	simm.s32 $0x0;
	s20 =	sshll.u32 s6, $0x1;
	s6 =	sadd.s32 s21, s4  }
0x9e: {  	[timem:s8], [sflag:s22] =	dma.local [hbm:s6], s20  }
0x9f: {  	_ =	swait.ge [sflag:s22], s20  }
0xa0: {  	s5 =	ssub.s32 $0x0, s20;
	[sflag:s22] =	ssyncset.done $0x0  }
0xa1: {  	[sflag:s22] =	ssyncadd.s32 s5;
	_ =	sdelay $0x1  }
0xa2: {  	s23 =	simm.s32 $0x1B8B  }
0xa3: {  	_ =	swait.ge [sflag:s23], $0x1  }
0xa4: {  	[sflag:s23] =	ssyncset.done $0x0  }
0xa5: {  	s25 =	simm.s32 $0x1B8E;
	s24 =	sld [smem:$0x3FFE];
	[sflag:s23] =	ssyncadd.s32 $0xFFFFFFFF  }
0xa6: {  	s26 =	simm.s32 $execute0_lowered;
	[smem:$0x3FD2] =	sst s25  }
0xa7: {  	s6 =	sshll.u32 s26, $0x1;
	_ =	strace $0x80000046;
	[dreg:$0x1] =	wrdreg $0xFFFFFFFF  }
0xa8: {  	s28 =	simm.s32 $_size_execute0_lowered;
	s4 =	sadd.s32 s4, s6;
	[dreg:$0x0] =	wrdreg $0x0  }
0xa9: {  	s6 =	sshll.u32 s28, $0x1;
	[dreg:$0x2] =	wrdreg s4  }
0xaa: {  	[dreg:$0x3] =	wrdreg s6  }
0xab: {  	[dreg:$0x4] =	wrdreg $0xC0  }
0xac: {  	_ =	task [dreg:s8], $0x5FFFF  }
0xad: {  	[dreg:$0x1] =	wrdreg $0xFFFFFFFF  }
0xae: {  	[dreg:$0x0] =	wrdreg $0x60  }
0xaf: {  	[dreg:$0x2] =	wrdreg s18  }
0xb0: {  	[dreg:$0x3] =	wrdreg s24  }
0xb1: {  	[dreg:$0x4] =	wrdreg s2  }
0xb2: {  	[dreg:$0x5] =	wrdreg $0x9  }
0xb3: {  	_ =	task.clear_ibuf [dreg:s8], $0x6FFFF;
	_ =	strace $0x90000046  }
0xb4: {  	s29 =	simm.s32 $0x9;
	_ =	strace $0x80000048  }
0xb5: {  	_ =	swait.ge [sflag:s29], $0x1  }
0xb6: {  	[sflag:s29] =	ssyncadd.s32 $0xFFFFFFFF  }
0xb7: {  	_ =	strace $0x90000048  }
0xb8: {  	_ =	sfence  }
0xb9: {  	s30 =	sld [smem:$0x0];
	_ =	sdelay $0x2  }
0xba: {  	s31 =	sshll.u32 s1, $0xD;
	s1 =	sshrl.u32 s1, $0x2  }
0xbb: {  	s3 =	sand.u32 $0x4000, s31;
	s1 =	sadd.s32 s1, s30  }
0xbc: {  	s0 =	sor.u32 s3, s0;
	s1 =	sshll.u32 s1, $0x11  }
0xbd: {  	s0 =	sor.u32 s1, s0  }
0xbe: {  	s0 =	sadd.s32 $0x8F2B, s0  }
0xbf: {  	[sflag:s0] =	ssyncadd.remote.s32 $0x1  }
0xc0: {  	_ =	sfence.sel $0xFFFF  }
0xc1: {  	[dreg:$0x0] =	wrdreg $0xFFFFFFFF;
	(pc) =	sbr.abs _section_cstart, $3  }
0xc2: {  	[dreg:$0x1] =	wrdreg $0xFFFFFFFF  }
0xc3: {  	_ =	task.clear_ibuf [dreg:s8], $0x2FFFF;
	_ =	strace $0x9FFFFFFF  }
0xc4: {  	(tm) =	ssettm $0x7FFFFFFF  }
0xc5: {  	_ =	shalt  }
tec
execute0_lowered:
.L_overlay_start_1:
0x0: {  	(tag) =	ssettag $0x1  }
0x1: {  	s5 =	rddreg [dreg:$0x0]  }
0x2: {  	s6 =	rddreg [dreg:$0x1]  }
0x3: {  	s1 =	rddreg [dreg:$0x2]  }
0x4: {  	s0 =	rddreg [dreg:$0x3]  }
0x5: {  	s3 =	simm.s32 $0x0;
	s4 =	srdreg.scid;
	s2 =	stileid.u32  }
0x6: {  	s10 =	simm.s32 $0x7A1400;
	s11 =	simm.s32 $0x400;
	s12 =	simm.s32 $0x10400  }
0x7: {  	s13 =	simm.s32 $0x9;
	s14 =	simm.s32 $0x0;
	[smem:$0x7FF] =	sst s3  }
.Ltmp0:
0x8: {  	s4 =	sand.u32 $0x1, s4;
	s8 =	sshll.u32 s2, $0x7;
	(pc) =	sbr.rel .LBB2_1-.Ltmp0, $4  }
0x9: {  	v0 =	vlaneseq.u32;
	s7 =	ssub.s32 $0x2, s4;
	s4 =	sshll.u32 s4, $0x6;
	_ =	strace $0x80000047  }
0xa: {  	v1 =	vmul.u32 $0x80, v0;
	s9 =	sshrl.u32 s7, $0x1;
	s8 =	sor.u32 s4, s8;
	s4 =	sadd.s32 $0x800, s6  }
0xb: {  	v3 =	vor.u32 $0x10, v0;
	v5 =	vor.u32 $0x20, v0;
	v7 =	vor.u32 $0x30, v0;
	s9 =	ssub.s32 s7, s9;
	s5 =	sadd.s32 s5, s8;
	s6 =	sadd.s32 s6, s8  }
0xc: {  	v2 =	vor.u32 $0x800, v1;
	v4 =	vor.u32 $0x1000, v1;
	v6 =	vor.u32 $0x1800, v1;
	s7 =	simm.s32 $0xA;
	s8 =	simm.s32 $0x200;
	s9 =	smax.u32 s9, $0x1  }
.LBB2_9:
0xd: {  	_ =	swait.ge [sflag:s13], $0x80  }
0xe: {  	[sflag:s13] =	ssyncset.done $0x0  }
0xf: {  	[sflag:s13] =	ssyncadd.s32 $0xFFFFFF80  }
0x10: {  	_ =	swait.ge [sflag:s13], $0x80  }
0x11: {  	[sflag:s13] =	ssyncset.done $0x0  }
0x12: {  	[sflag:s13] =	ssyncadd.s32 $0xFFFFFF80  }
0x13: {  	_ =	swait.ge [sflag:s13], $0x80  }
0x14: {  	[sflag:s13] =	ssyncset.done $0x0  }
0x15: {  	[sflag:s13] =	ssyncadd.s32 $0xFFFFFF80  }
0x16: {  	_ =	swait.ge [sflag:s13], $0x80  }
0x17: {  	[sflag:s13] =	ssyncset.done $0x0  }
0x18: {  	[sflag:s13] =	ssyncadd.s32 $0xFFFFFF80  }
0x19: {  	_ =	swait.ge [sflag:s13], $0x80  }
0x1a: {  	[sflag:s13] =	ssyncset.done $0x0  }
0x1b: {  	[sflag:s13] =	ssyncadd.s32 $0xFFFFFF80  }
0x1c: {  	_ =	swait.ge [sflag:s13], $0x80  }
0x1d: {  	[sflag:s13] =	ssyncset.done $0x0  }
0x1e: {  	s14 =	sadd.s32 $0x1, s14;
	[sflag:s13] =	ssyncadd.s32 $0xFFFFFF80  }
0x1f: {  	p0 =	sne.s32 s14, s9;
	_ =	swait.ge [sflag:s13], $0x80  }
.Ltmp1:
0x20: {  	[sflag:s13] =	ssyncset.done $0x0;
	(pc) =	sbr.rel @!p0 .LBB2_10-.Ltmp1, $4  }
0x21: {  	[sflag:s13] =	ssyncadd.s32 $0xFFFFFF80  }
0x22: {  	_ =	swait.ge [sflag:s13], $0x80  }
0x23: {  	[sflag:s13] =	ssyncset.done $0x0  }
0x24: {  	[sflag:s13] =	ssyncadd.s32 $0xFFFFFF80  }
.LBB2_1:
0x25: {  	[tilespmem:s3], [sflag:$0xA] =	stream.linear.gather [hbm4b:s5+s3], $0x200, $0x38;
	[tilespmem:$0x10800] =	vst v63  }
0x26: {  	_ =	swait.ge [sflag:s7], $0x200  }
0x27: {  	[sflag:s7] =	ssyncset.done $0x0  }
0x28: {  	[sflag:s7] =	ssyncadd.s32 $0xFFFFFE00  }
0x29: {  	[tilespmem:s8], [sflag:$0xA] =	stream.linear.gather [hbm4b:s6+s3], $0x200, $0x38;
	[tilespmem:$0x10800] =	vst v63  }
0x2a: {  	_ =	swait.ge [sflag:s7], $0x200  }
0x2b: {  	[sflag:s7] =	ssyncset.done $0x0  }
0x2c: {  	s15 =	simm.s32 $0x0;
	[sflag:s7] =	ssyncadd.s32 $0xFFFFFE00  }
0x2d: {  	v8 =	vld [tilespmem:s15+$0x0]  }
0x2e: {  	v9 =	vld [tilespmem:s15+$0x200];
	_ =	sdelay $0x3  }
0x2f: {  	v10 =	vshra.s32 v8, $0x7  }
0x30: {  	v8 =	vand.u32 $0x7F, v8;
	v9 =	vshll.u32 v9, $0x7;
	(v2sf) =	vpush v10, $0x0  }
0x31: {  	v8 =	vor.u32 v8, v9;
	(v2sf) =	vpush v10, $0x1  }
0x32: {  	(v2sf) =	vpush v8, $0x0;
	_ =	sdelay $0x1  }
0x33: {  	(v2sf) =	vpush v8, $0x1  }
0x34: {  	(v2sf) =	vpush v10, $0x2  }
0x35: {  	(v2sf) =	vpush v8, $0x2  }
0x36: {  	(v2sf) =	vpush v10, $0x3  }
0x37: {  	(v2sf) =	vpush v8, $0x3  }
0x38: {  	(v2sf) =	vpush v10, $0x4  }
0x39: {  	(v2sf) =	vpush v8, $0x4  }
0x3a: {  	(v2sf) =	vpush v10, $0x5  }
0x3b: {  	(v2sf) =	vpush v8, $0x5  }
0x3c: {  	(v2sf) =	vpush v10, $0x6  }
0x3d: {  	(v2sf) =	vpush v8, $0x6  }
0x3e: {  	(v2sf) =	vpush v10, $0x7;
	s16 =	spop (v2sf)  }
0x3f: {  	(v2sf) =	vpush v8, $0x7;
	s17 =	spop (v2sf)  }
0x40: {  	(v2sf) =	vpush v10, $0x8;
	[smem:s15] =	sst s16;
	s31 =	spop (v2sf)  }
0x41: {  	(v2sf) =	vpush v8, $0x8;
	[smem:$0x200] =	sst s31  }
0x42: {  	s16 =	spop (v2sf);
	(v2sf) =	vpush v10, $0x9;
	[smem:$0x1] =	sst s17  }
0x43: {  	s17 =	spop (v2sf);
	(v2sf) =	vpush v8, $0x9;
	[smem:$0x201] =	sst s16  }
0x44: {  	s16 =	spop (v2sf);
	(v2sf) =	vpush v10, $0xA;
	[smem:$0x2] =	sst s17  }
0x45: {  	s17 =	spop (v2sf);
	(v2sf) =	vpush v8, $0xA;
	[smem:$0x202] =	sst s16  }
0x46: {  	s16 =	spop (v2sf);
	(v2sf) =	vpush v10, $0xB;
	[smem:$0x3] =	sst s17  }
0x47: {  	s17 =	spop (v2sf);
	(v2sf) =	vpush v8, $0xB;
	[smem:$0x203] =	sst s16  }
0x48: {  	s18 =	spop (v2sf);
	(v2sf) =	vpush v10, $0xC;
	[smem:$0x4] =	sst s17  }
0x49: {  	s16 =	simm.s32 $0x10;
	s17 =	spop (v2sf);
	(v2sf) =	vpush v8, $0xC;
	[smem:$0x204] =	sst s18  }
0x4a: {  	s18 =	spop (v2sf);
	(v2sf) =	vpush v10, $0xD;
	v9 =	vld [tilespmem:s16+$0x0];
	[smem:$0x5] =	sst s17  }
0x4b: {  	s17 =	spop (v2sf);
	(v2sf) =	vpush v8, $0xD;
	v11 =	vld [tilespmem:s16+$0x200];
	[smem:$0x205] =	sst s18  }
0x4c: {  	s18 =	spop (v2sf);
	(v2sf) =	vpush v10, $0xE;
	[smem:$0x6] =	sst s17  }
0x4d: {  	s17 =	spop (v2sf);
	(v2sf) =	vpush v8, $0xE;
	[smem:$0x206] =	sst s18  }
0x4e: {  	s18 =	spop (v2sf);
	(v2sf) =	vpush v10, $0xF;
	[smem:$0x7] =	sst s17  }
0x4f: {  	s17 =	spop (v2sf);
	(v2sf) =	vpush v8, $0xF;
	v8 =	vshra.s32 v9, $0x7;
	[smem:$0x207] =	sst s18  }
0x50: {  	v9 =	vand.u32 $0x7F, v9;
	s18 =	spop (v2sf);
	(v2sf) =	vpush v8, $0x0;
	[smem:$0x8] =	sst s17;
	v10 =	vshll.u32 v11, $0x7  }
0x51: {  	s17 =	spop (v2sf);
	(v2sf) =	vpush v8, $0x1;
	v9 =	vor.u32 v9, v10;
	[smem:$0x208] =	sst s18  }
0x52: {  	s18 =	spop (v2sf);
	(v2sf) =	vpush v9, $0x0;
	[smem:$0x9] =	sst s17  }
0x53: {  	s17 =	spop (v2sf);
	(v2sf) =	vpush v9, $0x1;
	[smem:$0x209] =	sst s18  }
0x54: {  	s18 =	spop (v2sf);
	(v2sf) =	vpush v8, $0x2;
	[smem:$0xA] =	sst s17  }
0x55: {  	s17 =	spop (v2sf);
	(v2sf) =	vpush v9, $0x2;
	[smem:$0x20A] =	sst s18  }
0x56: {  	s18 =	spop (v2sf);
	(v2sf) =	vpush v8, $0x3;
	[smem:$0xB] =	sst s17  }
0x57: {  	s17 =	spop (v2sf);
	(v2sf) =	vpush v9, $0x3;
	[smem:$0x20B] =	sst s18  }
0x58: {  	s18 =	spop (v2sf);
	(v2sf) =	vpush v8, $0x4;
	[smem:$0xC] =	sst s17  }
0x59: {  	s17 =	spop (v2sf);
	(v2sf) =	vpush v9, $0x4;
	[smem:$0x20C] =	sst s18  }
0x5a: {  	s18 =	spop (v2sf);
	(v2sf) =	vpush v8, $0x5;
	[smem:$0xD] =	sst s17  }
0x5b: {  	s17 =	spop (v2sf);
	(v2sf) =	vpush v9, $0x5;
	[smem:$0x20D] =	sst s18  }
0x5c: {  	s18 =	spop (v2sf);
	(v2sf) =	vpush v8, $0x6;
	[smem:$0xE] =	sst s17  }
0x5d: {  	s19 =	spop (v2sf);
	(v2sf) =	vpush v9, $0x6;
	[smem:$0x20E] =	sst s18  }
0x5e: {  	s17 =	simm.s32 $0x80;
	s18 =	spop (v2sf)  }
.LBB2_2:
0x5f: {  	p0 =	sne.s32 s17, $0x7C0  }
0x60: {  	(v2sf) =	vpush v8, $0x7;
	[smem:s15+$0xF] =	sst s19;
	s19 =	smov.u32 s17;
	s17 =	sadd.s32 $0x40, s17  }
0x61: {  	s20 =	spop (v2sf);
	(v2sf) =	vpush v9, $0x7;
	[smem:s15+$0x20F] =	sst s18;
	s15 =	smov.u32 s16  }
0x62: {  	[smem:s15] =	sst s20;
	s16 =	spop (v2sf);
	(v2sf) =	vpush v8, $0x8  }
0x63: {  	s18 =	spop (v2sf);
	(v2sf) =	vpush v9, $0x8  }
0x64: {  	[smem:s15+$0x200] =	sst s18;
	s18 =	spop (v2sf);
	(v2sf) =	vpush v8, $0x9  }
0x65: {  	[smem:s15+$0x1] =	sst s16;
	s16 =	spop (v2sf);
	(v2sf) =	vpush v9, $0x9  }
0x66: {  	[smem:s15+$0x201] =	sst s18;
	s18 =	spop (v2sf);
	(v2sf) =	vpush v8, $0xA  }
0x67: {  	[smem:s15+$0x2] =	sst s16;
	s16 =	spop (v2sf);
	(v2sf) =	vpush v9, $0xA  }
0x68: {  	[smem:s15+$0x202] =	sst s18;
	s18 =	spop (v2sf);
	(v2sf) =	vpush v8, $0xB  }
0x69: {  	[smem:s15+$0x3] =	sst s16;
	s16 =	spop (v2sf);
	(v2sf) =	vpush v9, $0xB  }
0x6a: {  	[smem:s15+$0x203] =	sst s18;
	s18 =	spop (v2sf);
	(v2sf) =	vpush v8, $0xC  }
0x6b: {  	[smem:s15+$0x4] =	sst s16;
	s20 =	spop (v2sf);
	(v2sf) =	vpush v9, $0xC  }
0x6c: {  	s16 =	sshra.s32 s19, $0x2;
	[smem:s15+$0x204] =	sst s18;
	s18 =	spop (v2sf);
	(v2sf) =	vpush v8, $0xD  }
0x6d: {  	v10 =	vld [tilespmem:s16+$0x0];
	[smem:s15+$0x5] =	sst s20;
	s19 =	spop (v2sf);
	(v2sf) =	vpush v9, $0xD  }
0x6e: {  	v11 =	vld [tilespmem:s16+$0x200];
	[smem:s15+$0x205] =	sst s18;
	s18 =	spop (v2sf);
	(v2sf) =	vpush v8, $0xE  }
0x6f: {  	[smem:s15+$0x6] =	sst s19;
	s19 =	spop (v2sf);
	(v2sf) =	vpush v9, $0xE  }
0x70: {  	[smem:s15+$0x206] =	sst s18;
	s18 =	spop (v2sf);
	(v2sf) =	vpush v8, $0xF  }
0x71: {  	[smem:s15+$0x7] =	sst s19;
	s19 =	spop (v2sf);
	(v2sf) =	vpush v9, $0xF  }
0x72: {  	v8 =	vshra.s32 v10, $0x7;
	v9 =	vand.u32 $0x7F, v10;
	[smem:s15+$0x207] =	sst s18;
	s18 =	spop (v2sf)  }
0x73: {  	v10 =	vshll.u32 v11, $0x7;
	(v2sf) =	vpush v8, $0x0;
	[smem:s15+$0x8] =	sst s19;
	s19 =	spop (v2sf)  }
0x74: {  	v9 =	vor.u32 v9, v10;
	(v2sf) =	vpush v8, $0x1;
	[smem:s15+$0x208] =	sst s18;
	s18 =	spop (v2sf)  }
0x75: {  	(v2sf) =	vpush v9, $0x0;
	[smem:s15+$0x9] =	sst s19;
	s19 =	spop (v2sf)  }
0x76: {  	(v2sf) =	vpush v9, $0x1;
	[smem:s15+$0x209] =	sst s18;
	s18 =	spop (v2sf)  }
0x77: {  	(v2sf) =	vpush v8, $0x2;
	[smem:s15+$0xA] =	sst s19;
	s19 =	spop (v2sf)  }
0x78: {  	(v2sf) =	vpush v9, $0x2;
	[smem:s15+$0x20A] =	sst s18;
	s18 =	spop (v2sf)  }
0x79: {  	(v2sf) =	vpush v8, $0x3;
	[smem:s15+$0xB] =	sst s19;
	s19 =	spop (v2sf)  }
0x7a: {  	(v2sf) =	vpush v9, $0x3;
	[smem:s15+$0x20B] =	sst s18;
	s18 =	spop (v2sf)  }
0x7b: {  	(v2sf) =	vpush v8, $0x4;
	[smem:s15+$0xC] =	sst s19;
	s19 =	spop (v2sf)  }
0x7c: {  	[smem:s15+$0x20C] =	sst s18  }
.Ltmp2:
0x7d: {  	(v2sf) =	vpush v9, $0x4;
	s18 =	spop (v2sf);
	(pc) =	sbr.rel @p0 .LBB2_2-.Ltmp2, $4  }
0x7e: {  	(v2sf) =	vpush v8, $0x5;
	[smem:s15+$0xD] =	sst s19;
	s19 =	spop (v2sf)  }
0x7f: {  	(v2sf) =	vpush v9, $0x5;
	[smem:s15+$0x20D] =	sst s18;
	s18 =	spop (v2sf)  }
0x80: {  	(v2sf) =	vpush v8, $0x6;
	[smem:s15+$0xE] =	sst s19;
	s19 =	spop (v2sf)  }
0x81: {  	(v2sf) =	vpush v9, $0x6;
	[smem:s15+$0x20E] =	sst s18;
	s18 =	spop (v2sf)  }
0x82: {  	(v2sf) =	vpush v8, $0x7;
	[smem:s15+$0xF] =	sst s19;
	s17 =	spop (v2sf)  }
0x83: {  	(v2sf) =	vpush v9, $0x7;
	[smem:s15+$0x20F] =	sst s18;
	s26 =	spop (v2sf)  }
0x84: {  	[smem:s16] =	sst s17;
	(v2sf) =	vpush v8, $0x8;
	s28 =	spop (v2sf)  }
0x85: {  	(v2sf) =	vpush v9, $0x8;
	[smem:s16+$0x200] =	sst s28  }
0x86: {  	s29 =	spop (v2sf);
	(v2sf) =	vpush v8, $0x9;
	[smem:s16+$0x1] =	sst s26  }
0x87: {  	s30 =	spop (v2sf);
	(v2sf) =	vpush v9, $0x9;
	[smem:s16+$0x201] =	sst s29  }
0x88: {  	s31 =	spop (v2sf);
	(v2sf) =	vpush v8, $0xA;
	[smem:s16+$0x2] =	sst s30  }
0x89: {  	s18 =	spop (v2sf);
	(v2sf) =	vpush v9, $0xA;
	[smem:s16+$0x202] =	sst s31  }
0x8a: {  	s19 =	spop (v2sf);
	(v2sf) =	vpush v8, $0xB;
	[smem:s16+$0x3] =	sst s18  }
0x8b: {  	s20 =	spop (v2sf);
	(v2sf) =	vpush v9, $0xB;
	[smem:s16+$0x203] =	sst s19  }
0x8c: {  	s21 =	spop (v2sf);
	(v2sf) =	vpush v8, $0xC;
	[smem:s16+$0x4] =	sst s20  }
0x8d: {  	s22 =	spop (v2sf);
	(v2sf) =	vpush v9, $0xC;
	[smem:s16+$0x204] =	sst s21  }
0x8e: {  	s23 =	spop (v2sf);
	(v2sf) =	vpush v8, $0xD;
	[smem:s16+$0x5] =	sst s22  }
0x8f: {  	s24 =	spop (v2sf);
	(v2sf) =	vpush v9, $0xD;
	[smem:s16+$0x205] =	sst s23  }
0x90: {  	s25 =	spop (v2sf);
	(v2sf) =	vpush v8, $0xE;
	[smem:s16+$0x6] =	sst s24  }
0x91: {  	s26 =	spop (v2sf);
	(v2sf) =	vpush v9, $0xE;
	[smem:s16+$0x206] =	sst s25  }
0x92: {  	s28 =	spop (v2sf);
	(v2sf) =	vpush v8, $0xF;
	[smem:s16+$0x7] =	sst s26  }
0x93: {  	s29 =	spop (v2sf);
	(v2sf) =	vpush v9, $0xF;
	[smem:s16+$0x207] =	sst s28  }
0x94: {  	s30 =	spop (v2sf);
	[smem:s16+$0x8] =	sst s29  }
0x95: {  	s31 =	spop (v2sf);
	[smem:s16+$0x208] =	sst s30  }
0x96: {  	s18 =	spop (v2sf);
	[smem:s16+$0x9] =	sst s31  }
0x97: {  	s19 =	spop (v2sf);
	[smem:s16+$0x209] =	sst s18  }
0x98: {  	s20 =	spop (v2sf);
	[smem:s16+$0xA] =	sst s19  }
0x99: {  	s21 =	spop (v2sf);
	[smem:s16+$0x20A] =	sst s20  }
0x9a: {  	s22 =	spop (v2sf);
	[smem:s16+$0xB] =	sst s21  }
0x9b: {  	s23 =	spop (v2sf);
	[smem:s16+$0x20B] =	sst s22  }
0x9c: {  	s24 =	spop (v2sf);
	[smem:s16+$0xC] =	sst s23  }
0x9d: {  	s25 =	spop (v2sf);
	[smem:s16+$0x20C] =	sst s24  }
0x9e: {  	s26 =	spop (v2sf);
	[smem:s16+$0xD] =	sst s25  }
0x9f: {  	s28 =	spop (v2sf);
	[smem:s16+$0x20D] =	sst s26  }
0xa0: {  	s29 =	spop (v2sf);
	[smem:s16+$0xE] =	sst s28  }
0xa1: {  	s30 =	spop (v2sf);
	[smem:s16+$0x20E] =	sst s29  }
0xa2: {  	s31 =	spop (v2sf);
	[smem:s16+$0xF] =	sst s30  }
0xa3: {  	[smem:s16+$0x20F] =	sst s31  }
0xa4: {  	s15 =	sld [smem:$0x0];
	_ =	sdelay $0x2  }
.Ltmp3:
0xa5: {  	s15 =	sshll.u32 s15, $0x7;
	(pc) =	sbr.rel .LBB2_4-.Ltmp3, $4  }
0xa6: {  	s17 =	simm.s32 $0x0;
	s15 =	sand.u32 $0x1FFFFF80, s15  }
0xa7: {  	s18 =	simm.s32 $0x0;
	s19 =	simm.s32 $0x1;
	s15 =	sadd.s32 s1, s15  }
0xa8: {  	[tilespmem:s11], [sflag:$0x1] =	stream.strided.gather [hbm4b:s15+s11], $0x2000, s10, s11, $0x38;
	[tilespmem:$0x10800] =	vst v63  }
0xa9: {  	s20 =	simm.s32 $0x1;
	s16 =	simm.s32 $0x200;
	s15 =	simm.s32 $0x0  }
.LBB2_8:
0xaa: {  	s23 =	sld [smem:s15+$0x0];
	s24 =	smax.u32 s18, $0x1  }
0xab: {  	s24 =	sld [smem:s24+$0xFFFFFFFF];
	_ =	sdelay $0x2  }
0xac: {  	p0 =	seq.s32 s18, $0x0;
	p1 =	sne.s32 s23, s24  }
0xad: {  	p3 =	por p0, p1  }
0xae: {  	s23 =	sand.u32 @p3 $0x7, s17  }
0xaf: {  	p6 =	sgt.s32 @p3 s23, $0x3  }
0xb0: {  	p0 =	por !p6, !p3  }
0xb1: {  	s24 =	simm.s32 @!p0 $0x0;
	p1 =	sgt.s32 @!p0 s23, $0x5  }
0xb2: {  	s24 =	simm.s32 @p0 $0x1;
	p0 =	por @p3 !p1, !p6  }
0xb3: {  	[smem:$0x7F6] =	sst s24;
	s24 =	simm.s32 @!p0 $0x0  }
0xb4: {  	p4 =	por p6, !p3;
	s24 =	simm.s32 @p0 $0x1  }
0xb5: {  	p2 =	por p0, !p3;
	[smem:$0x7F9] =	sst s24;
	s24 =	simm.s32 @!p4 $0x0  }
0xb6: {  	p2 =	seq.s32 @!p2 s23, $0x6;
	s24 =	simm.s32 @p4 $0x1  }
0xb7: {  	[smem:$0x7F2] =	sst s24;
	s24 =	simm.s32 @!p2 $0x0  }
0xb8: {  	s29 =	sld [smem:$0x7F6];
	s24 =	simm.s32 @p2 $0x1  }
0xb9: {  	[smem:$0x7F1] =	sst s24  }
0xba: {  	s28 =	sld [smem:$0x7F1]  }
0xbb: {  	p0 =	sgt.s32 @!p4 s23, $0x1  }
0xbc: {  	p2 =	por @p3 !p0, p6  }
0xbd: {  	p4 =	seq.s32 s29, $0x1;
	s24 =	simm.s32 @!p2 $0x0;
	p5 =	seq.s32 s28, $0x1  }
0xbe: {  	s24 =	simm.s32 @p2 $0x1;
	p5 =	por @!p4 !p5, !p1  }
0xbf: {  	[smem:$0x7FA] =	sst s24;
	s24 =	simm.s32 @!p5 $0x0  }
0xc0: {  	p4 =	por @p3 p0, p6;
	s24 =	simm.s32 @p5 $0x1;
	p5 =	por p2, !p3  }
0xc1: {  	s30 =	sld [smem:$0x7F2];
	p2 =	seq.s32 @!p5 s23, $0x2;
	p5 =	por p4, !p3  }
0xc2: {  	[smem:$0x7F5] =	sst s24;
	s24 =	simm.s32 @!p5 $0x0  }
0xc3: {  	s29 =	sld [smem:$0x7FA];
	s24 =	simm.s32 @p5 $0x1;
	p5 =	por @p3 p1, !p6  }
0xc4: {  	[smem:$0x7F3] =	sst s24;
	p5 =	por p5, !p3  }
0xc5: {  	p4 =	seq.s32 s30, $0x1;
	s24 =	simm.s32 @!p5 $0x0;
	s31 =	sld [smem:$0x7F3]  }
0xc6: {  	s28 =	sld [smem:$0x7F6];
	p2 =	por @!p4 !p2, !p0;
	s24 =	simm.s32 @p5 $0x1  }
0xc7: {  	[smem:$0x7F4] =	sst s24;
	s24 =	simm.s32 @!p2 $0x0  }
0xc8: {  	s26 =	sld [smem:$0x7F5];
	s24 =	simm.s32 @p2 $0x1;
	p2 =	seq.s32 s31, $0x1  }
0xc9: {  	s25 =	sld [smem:$0x7F4];
	p5 =	seq.s32 @!p2 s23, $0x0  }
0xca: {  	[smem:$0x7F7] =	sst s24;
	p0 =	por @!p4 !p5, p0  }
0xcb: {  	p5 =	seq.s32 s28, $0x1;
	s28 =	sld [smem:$0x7F9];
	s24 =	simm.s32 @!p0 $0x0  }
0xcc: {  	s24 =	simm.s32 @p0 $0x1;
	p0 =	seq.s32 s25, $0x1;
	s25 =	sld [smem:$0x7F7]  }
0xcd: {  	[smem:$0x7F8] =	sst s24;
	p4 =	seq.s32 @!p0 s23, $0x4;
	p0 =	seq.s32 s26, $0x1  }
0xce: {  	p2 =	por @p3 p0, !p6;
	p4 =	por @!p5 !p4, p1;
	s26 =	sld [smem:$0x7F8]  }
0xcf: {  	p1 =	por p2, !p3;
	p2 =	por @p3 !p0, !p6;
	p0 =	por @p3 !p4, !p6  }
0xd0: {  	s23 =	simm.s32 @!p1 $0x7;
	p1 =	por !p2, !p3;
	p2 =	por @p3 p4, !p6  }
0xd1: {  	s23 =	simm.s32 @p1 $0x8;
	p1 =	por p2, !p3;
	p2 =	seq.s32 s25, $0x1  }
0xd2: {  	p0 =	por !p0, !p3;
	s24 =	simm.s32 @!p1 $0x5;
	p1 =	por @p3 p2, p6  }
0xd3: {  	s24 =	simm.s32 @p0 $0x6;
	p0 =	por p1, !p3;
	p1 =	por @p3 !p2, p6  }
0xd4: {  	p2 =	seq.s32 s29, $0x1;
	s25 =	simm.s32 @!p0 $0x3;
	p0 =	seq.s32 s26, $0x1  }
0xd5: {  	p1 =	por !p1, !p3;
	s26 =	simm.s32 @p3 $0x1;
	p0 =	por @p3 !p0, p6  }
0xd6: {  	s25 =	simm.s32 @p1 $0x4;
	p1 =	seq.s32 s28, $0x1;
	p0 =	por !p0, !p3  }
0xd7: {  	s26 =	simm.s32 @p0 $0x2;
	p0 =	por !p1, !p3;
	p1 =	por !p2, !p3  }
0xd8: {  	s24 =	smov.u32 @p0 s23;
	s26 =	smov.u32 @p1 s25  }
0xd9: {  	s24 =	smov.u32 @p5 s26  }
0xda: {  	_ =	swait.ge @p3 [sflag:s24], $0x2000  }
0xdb: {  	p0 =	slt.u32 s18, $0x8;
	[sflag:s24] =	ssyncset.done @p3 $0x0  }
0xdc: {  	s23 =	simm.s32 @!p0 $0x9;
	[sflag:s24] =	ssyncadd.s32 @p3 $0xFFFFE000  }
0xdd: {  	_ =	swait.ge @!p0 [sflag:s23], $0x80  }
0xde: {  	s24 =	simm.s32 $0x1;
	[sflag:s23] =	ssyncset.done @!p0 $0x0  }
0xdf: {  	s24 =	simm.s32 @!p3 $0x0;
	[sflag:s23] =	ssyncadd.s32 @!p0 $0xFFFFFF80  }
0xe0: {  	s17 =	sadd.s32 s24, s17;
	s23 =	sld [smem:s16+$0x0]  }
0xe1: {  	s24 =	sadd.s32 $0xFFFFFFFF, s17  }
0xe2: {  	s24 =	sand.u32 $0x7, s24  }
0xe3: {  	s24 =	sshll.u32 s24, $0xD;
	s30 =	sand.u32 $0x7F, s23  }
0xe4: {  	s24 =	sor.u32 s24, s30  }
0xe5: {  	v8 =	vor.u32 s24, v1;
	_ =	sdelay $0x2  }
0xe6: {  	s31 =	sand.u32 $0x7, s18  }
0xe7: {  	s25 =	sshll.u32 s31, $0x7  }
0xe8: {  	v9 =	vor.u32 s25, v0;
	v8 =	vld.idx.msk [tilespmem:v8+s11+$0x0], $0xffff  }
0xe9: {  	v10 =	vor.u32 s24, v2;
	_ =	sdelay $0x3  }
0xea: {  	[tilespmem:v9+s12+$0x0] =	vst.idx.msk $0xffff, v8  }
0xeb: {  	v59 =	vor.u32 s25, v3;
	v8 =	vld.idx.msk [tilespmem:v10+s11+$0x0], $0xffff  }
0xec: {  	v60 =	vor.u32 s24, v4;
	_ =	sdelay $0x3  }
0xed: {  	[tilespmem:v59+s12+$0x0] =	vst.idx.msk $0xffff, v8  }
0xee: {  	v61 =	vor.u32 s25, v5;
	v8 =	vld.idx.msk [tilespmem:v60+s11+$0x0], $0xffff  }
0xef: {  	v62 =	vor.u32 s24, v6;
	_ =	sdelay $0x3  }
0xf0: {  	s26 =	sld [smem:$0x7FC];
	[tilespmem:v61+s12+$0x0] =	vst.idx.msk $0xffff, v8  }
0xf1: {  	v63 =	vor.u32 s25, v7;
	s28 =	sld [smem:$0x7FB];
	v8 =	vld.idx.msk [tilespmem:v62+s11+$0x0], $0xffff  }
0xf2: {  	p4 =	seq.s32 s21, s22  }
0xf3: {  	s22 =	simm.s32 $0x1;
	s18 =	sadd.s32 $0x1, s18;
	p5 =	seq.s32 s26, $0x1  }
0xf4: {  	p6 =	seq.s32 s28, $0x1;
	p0 =	por p5, p4;
	s29 =	sshrl.u32 s23, $0x3  }
0xf5: {  	s31 =	sld [smem:$0x7FD];
	p0 =	por !p6, !p0;
	s21 =	sand.u32 $0x1FFFFFF0, s29  }
0xf6: {  	p0 =	por !p0, !p0;
	s30 =	sor.u32 $0x10400, s25;
	s21 =	sadd.s32 s4, s21;
	[tilespmem:v63+s12+$0x0] =	vst.idx.msk $0xffff, v8  }
0xf7: {  	[hbm4b:s21+s3] =	stream.linear.scatter [tilespmem:s30], [sflag:$0x9], $0x80, $0x38;
	[tilespmem:$0x10800] =	vst v63  }
0xf8: {  	s22 =	simm.s32 @!p0 $0x0;
	p0 =	seq.s32 s31, $0x1;
	s21 =	simm.s32 $0x1  }
0xf9: {  	s21 =	simm.s32 @!p0 $0x0;
	p0 =	sne.s32 s18, $0x200  }
.Ltmp4:
0xfa: {  	_ = 	snop;
	(pc) =	sbr.rel @!p0 .LBB2_9-.Ltmp4, $3  }
0xfb: {  	_ =	sdelay $0x1  }
0xfc: {  	s15 =	sadd.s32 $0x1, s15  }
0xfd: {  	s16 =	sadd.s32 $0x1, s16;
	s19 =	sadd.s32 s22, s19;
	s20 =	sadd.s32 s21, s20  }
.LBB2_4:
0xfe: {  	p0 =	slt.s32 s19, $0x1FF;
	s21 =	smov.u32 s19;
	s22 =	sadd.s32 $0xFFFFFFFF, s19  }
0xff: {  	s21 =	simm.s32 @!p0 $0x1FF;
	p0 =	slt.s32 s22, $0x1FF  }
0x100: {  	s21 =	sld [smem:s21+$0x0];
	s22 =	simm.s32 @!p0 $0x1FF  }
0x101: {  	s23 =	sadd.s32 $0x7, s17;
	s22 =	sld [smem:s22+$0x0]  }
0x102: {  	p1 =	slt.s32 s19, $0x200;
	p2 =	slt.s32 s20, s23  }
0x103: {  	p6 =	por !p1, !p2  }
0x104: {  	p0 =	por !p6, !p6;
	p3 =	sne.s32 s21, s22  }
0x105: {  	p0 =	por !p0, !p3  }
0x106: {  	p0 =	por !p0, !p0  }
.Ltmp5:
0x107: {  	_ = 	snop;
	(pc) =	sbr.rel @!p0 .LBB2_6-.Ltmp5, $1  }
0x108: {  	_ =	sdelay $0x3  }
0x109: {  	s24 =	sand.u32 $0x7, s20  }
0x10a: {  	p3 =	sgt.s32 s24, $0x3  }
0x10b: {  	p4 =	sgt.s32 @p3 s24, $0x5  }
0x10c: {  	p5 =	por !p4, !p3  }
0x10d: {  	s25 =	sshll.u32 s21, $0x7;
	p5 =	seq.s32 @!p5 s24, $0x6  }
0x10e: {  	s25 =	sand.u32 $0x1FFFFF80, s25;
	p6 =	por @p3 !p5, !p4;
	p5 =	por @p3 p5, !p4  }
0x10f: {  	s25 =	sadd.s32 s1, s25;
	p6 =	por p6, !p3;
	p5 =	por p5, !p3  }
0x110: {  	s26 =	simm.s32 @!p6 $0x400;
	s28 =	simm.s32 @!p6 $0x7A1400;
	s29 =	simm.s32 @!p6 $0xC400  }
0x111: {  	[tilespmem:s29], [sflag:$0x7] =	stream.strided.gather @!p6 [hbm4b:s25+s26], $0x2000, s28, s26, $0x38;
	[tilespmem:$0x10800] =	vst v63  }
0x112: {  	s26 =	simm.s32 @!p5 $0x400;
	s28 =	simm.s32 @!p5 $0x7A1400;
	s29 =	simm.s32 @!p5 $0xE400  }
0x113: {  	[tilespmem:s29], [sflag:$0x8] =	stream.strided.gather @!p5 [hbm4b:s25+s26], $0x2000, s28, s26, $0x38;
	[tilespmem:$0x10800] =	vst v63  }
0x114: {  	p5 =	por p4, !p3  }
0x115: {  	p5 =	seq.s32 @!p5 s24, $0x4  }
0x116: {  	p6 =	por @p3 !p5, p4;
	p4 =	por @p3 p5, p4  }
0x117: {  	p6 =	por p6, !p3;
	p4 =	por p4, !p3  }
0x118: {  	s26 =	simm.s32 @!p6 $0x400;
	s28 =	simm.s32 @!p6 $0x7A1400;
	s29 =	simm.s32 @!p6 $0x8400  }
0x119: {  	[tilespmem:s29], [sflag:$0x5] =	stream.strided.gather @!p6 [hbm4b:s25+s26], $0x2000, s28, s26, $0x38;
	[tilespmem:$0x10800] =	vst v63  }
0x11a: {  	s26 =	simm.s32 @!p4 $0x400;
	s28 =	simm.s32 @!p4 $0x7A1400;
	s29 =	simm.s32 @!p4 $0xA400  }
0x11b: {  	[tilespmem:s29], [sflag:$0x6] =	stream.strided.gather @!p4 [hbm4b:s25+s26], $0x2000, s28, s26, $0x38;
	[tilespmem:$0x10800] =	vst v63  }
0x11c: {  	p4 =	sgt.s32 @!p3 s24, $0x1  }
0x11d: {  	p5 =	por !p4, p3  }
0x11e: {  	p5 =	seq.s32 @!p5 s24, $0x2  }
0x11f: {  	p6 =	por @!p3 !p5, !p4;
	p5 =	por @!p3 p5, !p4  }
0x120: {  	p6 =	por p6, p3;
	p5 =	por p5, p3  }
0x121: {  	s26 =	simm.s32 @!p6 $0x400;
	s28 =	simm.s32 @!p6 $0x7A1400;
	s29 =	simm.s32 @!p6 $0x4400  }
0x122: {  	[tilespmem:s29], [sflag:$0x3] =	stream.strided.gather @!p6 [hbm4b:s25+s26], $0x2000, s28, s26, $0x38;
	[tilespmem:$0x10800] =	vst v63  }
0x123: {  	s26 =	simm.s32 @!p5 $0x400;
	s28 =	simm.s32 @!p5 $0x7A1400;
	s29 =	simm.s32 @!p5 $0x6400  }
0x124: {  	[tilespmem:s29], [sflag:$0x4] =	stream.strided.gather @!p5 [hbm4b:s25+s26], $0x2000, s28, s26, $0x38;
	[tilespmem:$0x10800] =	vst v63  }
0x125: {  	p5 =	por p4, p3  }
0x126: {  	p5 =	seq.s32 @!p5 s24, $0x0  }
0x127: {  	p6 =	por @!p3 !p5, p4  }
0x128: {  	p4 =	por @!p3 p5, p4;
	p6 =	por p6, p3  }
0x129: {  	p3 =	por p4, p3;
	s24 =	simm.s32 @!p6 $0x7A1400;
	s26 =	simm.s32 @!p6 $0x400  }
0x12a: {  	[tilespmem:s26], [sflag:$0x1] =	stream.strided.gather @!p6 [hbm4b:s25+s26], $0x2000, s24, s26, $0x38;
	[tilespmem:$0x10800] =	vst v63  }
0x12b: {  	s28 =	simm.s32 @!p3 $0x2400;
	s24 =	simm.s32 @!p3 $0x400;
	s26 =	simm.s32 @!p3 $0x7A1400  }
0x12c: {  	[tilespmem:s28], [sflag:$0x2] =	stream.strided.gather @!p3 [hbm4b:s25+s24], $0x2000, s26, s24, $0x38;
	[tilespmem:$0x10800] =	vst v63  }
.LBB2_6:
0x12d: {  	p3 =	seq.s32 s21, s22  }
0x12e: {  	p2 =	por p2, p3  }
0x12f: {  	p1 =	por !p1, !p2  }
0x130: {  	s21 =	simm.s32 $0x1;
	p1 =	por !p1, !p1  }
0x131: {  	s21 =	simm.s32 @!p1 $0x0  }
0x132: {  	s22 =	simm.s32 $0x1;
	s19 =	sadd.s32 s21, s19  }
0x133: {  	p1 =	slt.s32 s19, $0x1FF;
	s21 =	smov.u32 s19;
	s24 =	sadd.s32 $0xFFFFFFFF, s19  }
0x134: {  	s22 =	simm.s32 @!p0 $0x0;
	s21 =	simm.s32 @!p1 $0x1FF;
	p0 =	slt.s32 s24, $0x1FF  }
0x135: {  	s21 =	sld [smem:s21+$0x0];
	s24 =	simm.s32 @!p0 $0x1FF  }
0x136: {  	s20 =	sadd.s32 s22, s20;
	p0 =	slt.s32 s19, $0x200;
	s22 =	sld [smem:s24+$0x0]  }
0x137: {  	p1 =	slt.s32 s20, s23;
	s23 =	simm.s32 @!p0 $0x0  }
0x138: {  	s23 =	simm.s32 @p0 $0x1;
	p0 =	por !p0, !p1  }
0x139: {  	p0 =	por !p0, !p0;
	p6 =	sne.s32 s21, s22  }
0x13a: {  	p0 =	por !p0, !p6  }
0x13b: {  	p0 =	por !p0, !p0  }
.Ltmp6:
0x13c: {  	[smem:$0x7FB] =	sst s23;
	s23 =	simm.s32 @!p1 $0x0;
	(pc) =	sbr.rel @!p0 .LBB2_8-.Ltmp6, $4  }
0x13d: {  	s23 =	simm.s32 @p1 $0x1  }
0x13e: {  	[smem:$0x7FC] =	sst s23;
	s23 =	simm.s32 @!p0 $0x0  }
0x13f: {  	s23 =	simm.s32 @p0 $0x1  }
0x140: {  	[smem:$0x7FD] =	sst s23  }
0x141: {  	s23 =	sand.u32 $0x7, s20  }
0x142: {  	p3 =	sgt.s32 s23, $0x3  }
0x143: {  	p0 =	sgt.s32 @p3 s23, $0x5  }
0x144: {  	p1 =	por !p0, !p3  }
0x145: {  	s24 =	sshll.u32 s21, $0x7;
	p1 =	seq.s32 @!p1 s23, $0x6  }
0x146: {  	s24 =	sand.u32 $0x1FFFFF80, s24;
	p2 =	por @p3 !p1, !p0;
	p1 =	por @p3 p1, !p0  }
0x147: {  	s24 =	sadd.s32 s1, s24;
	p2 =	por p2, !p3;
	p1 =	por p1, !p3  }
0x148: {  	s25 =	simm.s32 @!p2 $0x400;
	s26 =	simm.s32 @!p2 $0x7A1400;
	s28 =	simm.s32 @!p2 $0xC400  }
0x149: {  	[tilespmem:s28], [sflag:$0x7] =	stream.strided.gather @!p2 [hbm4b:s24+s25], $0x2000, s26, s25, $0x38;
	[tilespmem:$0x10800] =	vst v63  }
0x14a: {  	s25 =	simm.s32 @!p1 $0x400;
	s26 =	simm.s32 @!p1 $0x7A1400;
	s28 =	simm.s32 @!p1 $0xE400  }
0x14b: {  	[tilespmem:s28], [sflag:$0x8] =	stream.strided.gather @!p1 [hbm4b:s24+s25], $0x2000, s26, s25, $0x38;
	[tilespmem:$0x10800] =	vst v63  }
0x14c: {  	p1 =	por p0, !p3  }
0x14d: {  	p1 =	seq.s32 @!p1 s23, $0x4  }
0x14e: {  	p2 =	por @p3 !p1, p0;
	p0 =	por @p3 p1, p0  }
0x14f: {  	p2 =	por p2, !p3;
	p0 =	por p0, !p3  }
0x150: {  	s25 =	simm.s32 @!p2 $0x400;
	s26 =	simm.s32 @!p2 $0x7A1400;
	s28 =	simm.s32 @!p2 $0x8400  }
0x151: {  	[tilespmem:s28], [sflag:$0x5] =	stream.strided.gather @!p2 [hbm4b:s24+s25], $0x2000, s26, s25, $0x38;
	[tilespmem:$0x10800] =	vst v63  }
0x152: {  	s25 =	simm.s32 @!p0 $0x400;
	s26 =	simm.s32 @!p0 $0x7A1400;
	s28 =	simm.s32 @!p0 $0xA400  }
0x153: {  	[tilespmem:s28], [sflag:$0x6] =	stream.strided.gather @!p0 [hbm4b:s24+s25], $0x2000, s26, s25, $0x38;
	[tilespmem:$0x10800] =	vst v63  }
0x154: {  	p0 =	sgt.s32 @!p3 s23, $0x1  }
0x155: {  	p1 =	por !p0, p3  }
0x156: {  	p1 =	seq.s32 @!p1 s23, $0x2  }
0x157: {  	p2 =	por @!p3 !p1, !p0;
	p1 =	por @!p3 p1, !p0  }
0x158: {  	p2 =	por p2, p3;
	p1 =	por p1, p3  }
0x159: {  	s25 =	simm.s32 @!p2 $0x400;
	s26 =	simm.s32 @!p2 $0x7A1400;
	s28 =	simm.s32 @!p2 $0x4400  }
0x15a: {  	[tilespmem:s28], [sflag:$0x3] =	stream.strided.gather @!p2 [hbm4b:s24+s25], $0x2000, s26, s25, $0x38;
	[tilespmem:$0x10800] =	vst v63  }
0x15b: {  	s25 =	simm.s32 @!p1 $0x400;
	s26 =	simm.s32 @!p1 $0x7A1400;
	s28 =	simm.s32 @!p1 $0x6400  }
0x15c: {  	[tilespmem:s28], [sflag:$0x4] =	stream.strided.gather @!p1 [hbm4b:s24+s25], $0x2000, s26, s25, $0x38;
	[tilespmem:$0x10800] =	vst v63  }
0x15d: {  	p1 =	por p0, p3  }
0x15e: {  	p1 =	seq.s32 @!p1 s23, $0x0  }
0x15f: {  	p2 =	por @!p3 !p1, p0  }
.Ltmp7:
0x160: {  	p0 =	por @!p3 p1, p0;
	p2 =	por p2, p3;
	(pc) =	sbr.rel .LBB2_8-.Ltmp7, $4  }
0x161: {  	p0 =	por p0, p3;
	s23 =	simm.s32 @!p2 $0x7A1400;
	s25 =	simm.s32 @!p2 $0x400  }
0x162: {  	[tilespmem:s25], [sflag:$0x1] =	stream.strided.gather @!p2 [hbm4b:s24+s25], $0x2000, s23, s25, $0x38;
	[tilespmem:$0x10800] =	vst v63  }
0x163: {  	s26 =	simm.s32 @!p0 $0x2400;
	s23 =	simm.s32 @!p0 $0x400;
	s25 =	simm.s32 @!p0 $0x7A1400  }
0x164: {  	[tilespmem:s26], [sflag:$0x2] =	stream.strided.gather @!p0 [hbm4b:s24+s23], $0x2000, s25, s23, $0x38;
	[tilespmem:$0x10800] =	vst v63  }
.LBB2_10:
0x165: {  	_ =	sfence.sel $0x180000  }
0x166: {  	[bflag:$0x0] =	sbarrier.arrive $0xFFFF  }
0x167: {  	p0 =	sne.s32 s2, $0x0;
	_ =	strace $0x90000047  }
0x168: {  	s0 =	sadd.s32 @!p0 $0x100000, s0;
	[bflag:$0x2] =	sbarrier.arrive $0xFFFF  }
0x169: {  	[sflag:s0] =	ssyncadd.tile.s32 @!p0 $0x1;
	_ =	shalt  }
.Lfunc_end2:
_tile_overlayer_lowered:
.L_overlay_start_2:
0x16a: {  	(tag) =	ssettag $0x2  }
0x16b: {  	s0 =	rddreg [dreg:$0x0];
	s2 =	stileid.u32  }
0x16c: {  	s1 =	rddreg [dreg:$0x1];
	p0 =	sne.s32 s2, $0x0  }
0x16d: {  	s3 =	rddreg [dreg:$0x2];
	[bflag:$0x3] =	sbarrier.arrive $0xFFFF;
	s2 =	simm.s32 @!p0 $0x1C0A  }
0x16e: {  	[timem:s3], [sflag:s2] =	dma.local @!p0 [hbm:s0], s1  }
0x16f: {  	s0 =	simm.s32 @!p0 $0xA  }
0x170: {  	_ =	swait.ge @!p0 [sflag:s0], s1  }
0x171: {  	s1 =	ssub.s32 @!p0 $0x0, s1;
	[sflag:s0] =	ssyncset.done @!p0 $0x0  }
0x172: {  	[sflag:s0] =	ssyncadd.s32 @!p0 s1  }
0x173: {  	[bflag:$0x3] =	sbarrier.arrive $0xFFFF  }
0x174: {  	_ =	shalt  }

</sc_bundles>
